<compile_context>
chip_gen: v7x
topology: tpu7x:2x2x1
jax: 0.10.2.dev20260603
libtpu: 0.0.44.dev20260713+nightly
codegen_flags: <defaults>
</compile_context>

<pallas_src>
import functools

import jax
import jax.numpy as jnp
from jax import lax
from jax.experimental import pallas as pl
from jax.experimental.pallas import tpu as pltpu
from jax.experimental.pallas import tpu_sc as plsc

NUM_SETS = 4
SET_LEN = 64
EMBED_DIM = 64
BATCH = 16384
TBL_ROWS = NUM_SETS * SET_LEN
TBL_WORDS = TBL_ROWS * EMBED_DIM

NC = 2
NS = 16
L = 16
NW = NC * NS
NBT = BATCH // 128
TB = 32
NCHK = NBT // TB

_mesh = plsc.VectorSubcoreMesh(core_axis_name="c", subcore_axis_name="s")


@functools.partial(
    pl.kernel,
    mesh=_mesh,
    out_type=jax.ShapeDtypeStruct((NW, NBT, 8, 128), jnp.float32),
    scratch_types=[
        pltpu.VMEM((TBL_WORDS,), jnp.float32),
        pltpu.VMEM((NBT, 1, 128), jnp.int32),
        pltpu.VMEM((TB, 8, 128), jnp.float32),
        pltpu.VMEM((TB, 8, 128), jnp.float32),
        pltpu.SemaphoreType.DMA,
        pltpu.SemaphoreType.DMA,
    ],
    compiler_params=pltpu.CompilerParams(
        use_tc_tiling_on_sc=False, needs_layout_passes=False
    ),
)
def _sc_gather(tbl_hbm, idx_hbm, out_hbm, tbl_v, idx_v, buf0, buf1, sem0, sem1):
    w = lax.axis_index("s") * NC + lax.axis_index("c")
    j = w // 8
    ct = w % 8
    base = j * (SET_LEN * EMBED_DIM) + ct * 8

    pltpu.sync_copy(tbl_hbm, tbl_v)
    pltpu.sync_copy(idx_hbm.at[pl.ds(0, NBT), pl.ds(j, 1), pl.ds(0, 128)], idx_v)

    bufs = (buf0, buf1)
    sems = (sem0, sem1)
    cps = [None, None]
    for chunk in range(NCHK):
        b = chunk % 2
        buf = bufs[b]
        if cps[b] is not None:
            cps[b].wait()
        @plsc.parallel_loop(0, TB * 8, step=1, unroll=8)
        def _body(i, _chunk=chunk, _buf=buf):
            t = i // 8
            r8 = i % 8
            off = pl.multiple_of(r8 * L, L)
            row = idx_v.at[_chunk * TB + t, 0]
            im = row[pl.ds(off, L)] * EMBED_DIM
            gs = [plsc.load_gather(tbl_v, [im + (base + ci)]) for ci in range(8)]
            for ci in range(8):
                dst = _buf.at[t, ci]
                dst[pl.ds(off, L)] = gs[ci]

        cps[b] = pltpu.async_copy(
            buf, out_hbm.at[w, pl.ds(chunk * TB, TB)], sems[b]
        )
    for cp in cps:
        if cp is not None:
            cp.wait()


def kernel(indices, table):
    idx3 = jnp.transpose(
        jnp.transpose(indices.astype(jnp.int32)).reshape(NUM_SETS, NBT, 128),
        (1, 0, 2),
    )
    tbl_flat = jax.lax.slice(table, (0, 0), (TBL_ROWS, EMBED_DIM)).reshape(-1)
    out4 = _sc_gather(tbl_flat, idx3)
    z = out4.reshape(NUM_SETS, 8, NBT, 8, 128)
    return jnp.transpose(z, (2, 4, 0, 1, 3)).reshape(BATCH, NUM_SETS, EMBED_DIM)

# --- scband reference (transcript-rebuilt; emitter-appended) ---
"""Pipeline reference for scband-discrete-continuous-selector-61624190763095 (READ-ONLY COPY).

The authoritative reference and input builder live on the scoring server;
editing this copy changes nothing except your own understanding.
"""

import jax, jax.numpy as jnp
import numpy as np

DISCRETE_SET_LENS = [64, 64, 64, 64]
NUM_EMBEDDINGS = 100000
EMBED_DIM = 64
BATCH = 16384

def setup_inputs(seed: int = 0) -> dict:
    key = jax.random.key(seed)
    k1, k2 = jax.random.split(key)
    # per-set indices, each in [0, set_len); min len across sets keeps all in-range
    indices = jax.random.randint(k1, (BATCH, len(DISCRETE_SET_LENS)), 0, min(DISCRETE_SET_LENS))
    # learned embedding table (nn.Embedding weight)
    table = jax.random.normal(k2, (NUM_EMBEDDINGS, EMBED_DIM), dtype=jnp.float32)
    return {"indices": indices, "table": table}

def reference(indices, table):
    # DiscreteSelector.embed: add exclusive-cumsum set offsets, remap through the
    # flattened discrete_indices buffer, then gather from the shared embedding table.
    lens = jnp.array(DISCRETE_SET_LENS, dtype=jnp.int32)
    offsets = jnp.concatenate([jnp.zeros((1,), dtype=jnp.int32), jnp.cumsum(lens)[:-1]])
    # flattened discrete_set_indices buffer (4 contiguous ranges of 64 -> arange(256))
    discrete_indices = jnp.arange(int(np.sum(DISCRETE_SET_LENS)), dtype=jnp.int32)
    idx = indices + offsets[None, :]
    embed_idx = jnp.take(discrete_indices, idx, axis=0)
    out = jnp.take(table, embed_idx, axis=0)
    return out

if __name__ == "__main__":
    import jax
    _d = setup_inputs()
    print(jax.jit(kernel)(*tuple(_d.values())))

</pallas_src>

<mosaic_0001>
#map = affine_map<(d0, d1) -> (0)>
#map1 = affine_map<(d0, d1) -> (0, 0, 0)>
#map2 = affine_map<(d0, d1) -> (0, 0, 0, 0)>
module attributes {stable_mosaic.version = 14 : i64} {
  func.func @_sc_gather(%arg0: i32, %arg1: i32, %arg2: memref<16384xf32, #tpu.memory_space<hbm>>, %arg3: memref<128x4x128xi32, #tpu.memory_space<hbm>>, %arg4: memref<32x128x8x128xf32, #tpu.memory_space<hbm>>, %arg5: memref<16384xf32, #tpu.memory_space<vmem>>, %arg6: memref<128x1x128xi32, #tpu.memory_space<vmem>>, %arg7: memref<32x8x128xf32, #tpu.memory_space<vmem>>, %arg8: memref<32x8x128xf32, #tpu.memory_space<vmem>>, %arg9: memref<!tpu.dma_semaphore, #tpu.memory_space<semaphore_mem>>, %arg10: memref<!tpu.dma_semaphore, #tpu.memory_space<semaphore_mem>>) attributes {dimension_semantics = [#tpu.dimension_semantics<core_parallel>, #tpu.dimension_semantics<subcore_parallel>], iteration_bounds = array<i64: 2, 16>, scalar_prefetch = 0 : i64, scratch_operands = 6 : i64, tpu.core_type = #tpu.core_type<sc_vector_subcore>, window_params = [{transform_indices = #map}, {transform_indices = #map1}, {transform_indices = #map2}]} {
    %mul3A = arith.constant 2 : i32
    %mul3A_0 = arith.muli %arg1, %mul3A : i32
    %add3A = arith.addi %mul3A_0, %arg0 : i32
    %jit3A = arith.constant 8 : i32
    %div3A = arith.divsi %add3A, %jit3A : i32
    %sign3A = arith.constant 0 : i32
    %sign3A_1 = arith.cmpi sgt, %add3A, %sign3A : i32
    %sign3A_2 = arith.extui %sign3A_1 : i1 to i32
    %sign3A_3 = arith.constant 0 : i32
    %sign3A_4 = arith.cmpi slt, %add3A, %sign3A_3 : i32
    %sign3A_5 = arith.extui %sign3A_4 : i1 to i32
    %sign3A_6 = arith.subi %sign3A_2, %sign3A_5 : i32
    %sign3A_7 = arith.constant 0 : i32
    %sign3A_8 = arith.cmpi sgt, %jit3A, %sign3A_7 : i32
    %sign3A_9 = arith.extui %sign3A_8 : i1 to i32
    %sign3A_10 = arith.constant 0 : i32
    %sign3A_11 = arith.cmpi slt, %jit3A, %sign3A_10 : i32
    %sign3A_12 = arith.extui %sign3A_11 : i1 to i32
    %sign3A_13 = arith.subi %sign3A_9, %sign3A_12 : i32
    %ne3A = arith.cmpi ne, %sign3A_6, %sign3A_13 : i32
    %rem3A = arith.remsi %add3A, %jit3A : i32
    %ne3A_14 = arith.constant 0 : i32
    %ne3A_15 = arith.cmpi ne, %rem3A, %ne3A_14 : i32
    %and3A = arith.andi %ne3A, %ne3A_15 : i1
    %sub3A = arith.constant 1 : i32
    %sub3A_16 = arith.subi %div3A, %sub3A : i32
    %select_n3A = arith.select %and3A, %sub3A_16, %div3A : i32
    %jit3A_17 = arith.constant 8 : i32
    %eq3A = arith.constant 0 : i32
    %eq3A_18 = arith.cmpi eq, %jit3A_17, %eq3A : i32
    %jit3A_19 = arith.constant 1 : i32
    %select_n3A_20 = arith.select %eq3A_18, %jit3A_19, %jit3A_17 : i32
    %rem3A_21 = arith.remsi %add3A, %select_n3A_20 : i32
    %ne3A_22 = arith.constant 0 : i32
    %ne3A_23 = arith.cmpi ne, %rem3A_21, %ne3A_22 : i32
    %lt3A = arith.constant 0 : i32
    %lt3A_24 = arith.cmpi slt, %rem3A_21, %lt3A : i32
    %lt3A_25 = arith.constant 0 : i32
    %lt3A_26 = arith.cmpi slt, %select_n3A_20, %lt3A_25 : i32
    %ne3A_27 = arith.xori %lt3A_24, %lt3A_26 : i1
    %and3A_28 = arith.andi %ne3A_27, %ne3A_23 : i1
    %add3A_29 = arith.addi %rem3A_21, %select_n3A_20 : i32
    %select_n3A_30 = arith.select %and3A_28, %add3A_29, %rem3A_21 : i32
    %mul3A_31 = arith.constant 4096 : i32
    %mul3A_32 = arith.muli %select_n3A, %mul3A_31 : i32
    %mul3A_33 = arith.constant 8 : i32
    %mul3A_34 = arith.muli %select_n3A_30, %mul3A_33 : i32
    %add3A_35 = arith.addi %mul3A_32, %mul3A_34 : i32
    "tpu.region"() ({
      %run_scoped3A = tpu.sem_alloc : memref<!tpu.dma_semaphore, #tpu.memory_space<semaphore_mem>>
      tpu.enqueue_dma source(%arg2 : memref<16384xf32, #tpu.memory_space<hbm>>) target(%arg5 : memref<16384xf32, #tpu.memory_space<vmem>>) target_semaphore(%run_scoped3A : memref<!tpu.dma_semaphore, #tpu.memory_space<semaphore_mem>>)
      tpu.wait_dma2 semaphore(%run_scoped3A : memref<!tpu.dma_semaphore, #tpu.memory_space<semaphore_mem>>) src(%arg2 : memref<16384xf32, #tpu.memory_space<hbm>>) dst(%arg5 : memref<16384xf32, #tpu.memory_space<vmem>>)
      tpu.yield
    }) : () -> ()
    "tpu.region"() ({
      %run_scoped3A = tpu.sem_alloc : memref<!tpu.dma_semaphore, #tpu.memory_space<semaphore_mem>>
      %dma_start3A_125 = arith.constant 0 : i32
      %dma_start3A_126 = arith.constant 0 : i32
      %dma_start3A_127 = tpu.memref_slice %arg3[%dma_start3A_125, %select_n3A, %dma_start3A_126] : memref<128x4x128xi32, #tpu.memory_space<hbm>> -> memref<128x1x128xi32, #tpu.memory_space<hbm>>
      %dma_start3A_128 = arith.constant 0 : i32
      %dma_start3A_129 = arith.constant 0 : i32
      %dma_start3A_130 = tpu.memref_slice %arg3[%dma_start3A_128, %select_n3A, %dma_start3A_129] : memref<128x4x128xi32, #tpu.memory_space<hbm>> -> memref<128x1x128xi32, #tpu.memory_space<hbm>>
      tpu.enqueue_dma source(%dma_start3A_130 : memref<128x1x128xi32, #tpu.memory_space<hbm>>) target(%arg6 : memref<128x1x128xi32, #tpu.memory_space<vmem>>) target_semaphore(%run_scoped3A : memref<!tpu.dma_semaphore, #tpu.memory_space<semaphore_mem>>)
      %dma_wait3A_131 = arith.constant 0 : i32
      %dma_wait3A_132 = arith.constant 0 : i32
      %dma_wait3A_133 = tpu.memref_slice %arg3[%dma_wait3A_131, %select_n3A, %dma_wait3A_132] : memref<128x4x128xi32, #tpu.memory_space<hbm>> -> memref<128x1x128xi32, #tpu.memory_space<hbm>>
      %dma_wait3A_134 = arith.constant 0 : i32
      %dma_wait3A_135 = arith.constant 0 : i32
      %dma_wait3A_136 = tpu.memref_slice %arg3[%dma_wait3A_134, %select_n3A, %dma_wait3A_135] : memref<128x4x128xi32, #tpu.memory_space<hbm>> -> memref<128x1x128xi32, #tpu.memory_space<hbm>>
      tpu.wait_dma2 semaphore(%run_scoped3A : memref<!tpu.dma_semaphore, #tpu.memory_space<semaphore_mem>>) src(%dma_wait3A_136 : memref<128x1x128xi32, #tpu.memory_space<hbm>>) dst(%arg6 : memref<128x1x128xi32, #tpu.memory_space<vmem>>)
      tpu.yield
    }) : () -> ()
    %parallel_loop3A = arith.constant 0 : i32
    %parallel_loop3A_36 = arith.constant 256 : i32
    %parallel_loop3A_37 = arith.constant 1 : i32
    scf.for %parallel_loop3A_125 = %parallel_loop3A to %parallel_loop3A_36 step %parallel_loop3A_37  : i32 {
      %parallel_loop3A_126 = arith.constant 8 : i32
      %parallel_loop3A_127 = arith.divsi %parallel_loop3A_125, %parallel_loop3A_126 : i32
      %parallel_loop3A_128 = arith.constant 0 : i32
      %parallel_loop3A_129 = arith.cmpi sgt, %parallel_loop3A_125, %parallel_loop3A_128 : i32
      %parallel_loop3A_130 = arith.extui %parallel_loop3A_129 : i1 to i32
      %parallel_loop3A_131 = arith.constant 0 : i32
      %parallel_loop3A_132 = arith.cmpi slt, %parallel_loop3A_125, %parallel_loop3A_131 : i32
      %parallel_loop3A_133 = arith.extui %parallel_loop3A_132 : i1 to i32
      %parallel_loop3A_134 = arith.subi %parallel_loop3A_130, %parallel_loop3A_133 : i32
      %parallel_loop3A_135 = arith.constant 0 : i32
      %parallel_loop3A_136 = arith.cmpi sgt, %parallel_loop3A_126, %parallel_loop3A_135 : i32
      %parallel_loop3A_137 = arith.extui %parallel_loop3A_136 : i1 to i32
      %parallel_loop3A_138 = arith.constant 0 : i32
      %parallel_loop3A_139 = arith.cmpi slt, %parallel_loop3A_126, %parallel_loop3A_138 : i32
      %parallel_loop3A_140 = arith.extui %parallel_loop3A_139 : i1 to i32
      %parallel_loop3A_141 = arith.subi %parallel_loop3A_137, %parallel_loop3A_140 : i32
      %parallel_loop3A_142 = arith.cmpi ne, %parallel_loop3A_134, %parallel_loop3A_141 : i32
      %parallel_loop3A_143 = arith.remsi %parallel_loop3A_125, %parallel_loop3A_126 : i32
      %parallel_loop3A_144 = arith.constant 0 : i32
      %parallel_loop3A_145 = arith.cmpi ne, %parallel_loop3A_143, %parallel_loop3A_144 : i32
      %parallel_loop3A_146 = arith.andi %parallel_loop3A_142, %parallel_loop3A_145 : i1
      %parallel_loop3A_147 = arith.constant 1 : i32
      %parallel_loop3A_148 = arith.subi %parallel_loop3A_127, %parallel_loop3A_147 : i32
      %parallel_loop3A_149 = arith.select %parallel_loop3A_146, %parallel_loop3A_148, %parallel_loop3A_127 : i32
      %parallel_loop3A_150 = arith.constant 8 : i32
      %parallel_loop3A_151 = arith.constant 0 : i32
      %parallel_loop3A_152 = arith.cmpi eq, %parallel_loop3A_150, %parallel_loop3A_151 : i32
      %parallel_loop3A_153 = arith.constant 1 : i32
      %parallel_loop3A_154 = arith.select %parallel_loop3A_152, %parallel_loop3A_153, %parallel_loop3A_150 : i32
      %parallel_loop3A_155 = arith.remsi %parallel_loop3A_125, %parallel_loop3A_154 : i32
      %parallel_loop3A_156 = arith.constant 0 : i32
      %parallel_loop3A_157 = arith.cmpi ne, %parallel_loop3A_155, %parallel_loop3A_156 : i32
      %parallel_loop3A_158 = arith.constant 0 : i32
      %parallel_loop3A_159 = arith.cmpi slt, %parallel_loop3A_155, %parallel_loop3A_158 : i32
      %parallel_loop3A_160 = arith.constant 0 : i32
      %parallel_loop3A_161 = arith.cmpi slt, %parallel_loop3A_154, %parallel_loop3A_160 : i32
      %parallel_loop3A_162 = arith.xori %parallel_loop3A_159, %parallel_loop3A_161 : i1
      %parallel_loop3A_163 = arith.andi %parallel_loop3A_162, %parallel_loop3A_157 : i1
      %parallel_loop3A_164 = arith.addi %parallel_loop3A_155, %parallel_loop3A_154 : i32
      %parallel_loop3A_165 = arith.select %parallel_loop3A_163, %parallel_loop3A_164, %parallel_loop3A_155 : i32
      %parallel_loop3A_166 = arith.constant 16 : i32
      %parallel_loop3A_167 = arith.muli %parallel_loop3A_165, %parallel_loop3A_166 : i32
      %parallel_loop3A_168 = tpu.assume_multiple %parallel_loop3A_167, 16 : i32
      %parallel_loop3A_169 = arith.constant 0 : i32
      %parallel_loop3A_170 = arith.addi %parallel_loop3A_169, %parallel_loop3A_149 : i32
      %parallel_loop3A_171 = arith.constant 0 : i32
      %parallel_loop3A_172 = arith.constant 0 : i32
      %parallel_loop3A_173 = tpu.memref_slice %arg6[%parallel_loop3A_170, %parallel_loop3A_171, %parallel_loop3A_172] : memref<128x1x128xi32, #tpu.memory_space<vmem>> -> memref<1x1x128xi32, #tpu.memory_space<vmem>>
      %parallel_loop3A_174 = tpu.memref_squeeze %parallel_loop3A_173 : memref<1x1x128xi32, #tpu.memory_space<vmem>> -> memref<128xi32, #tpu.memory_space<vmem>>
      %parallel_loop3A_175 = arith.index_cast %parallel_loop3A_168 : i32 to index
      %parallel_loop3A_176 = tpu.vector_load %parallel_loop3A_174[%parallel_loop3A_175] {strides = array<i32>} : memref<128xi32, #tpu.memory_space<vmem>>, vector<16xi32>,
      %parallel_loop3A_177 = arith.constant 64 : i32
      %parallel_loop3A_178 = vector.broadcast %parallel_loop3A_177 : i32 to vector<16xi32>
      %parallel_loop3A_179 = arith.muli %parallel_loop3A_176, %parallel_loop3A_178 : vector<16xi32>
      %parallel_loop3A_180 = arith.constant 0 : i32
      %parallel_loop3A_181 = arith.addi %add3A_35, %parallel_loop3A_180 : i32
      %parallel_loop3A_182 = vector.broadcast %parallel_loop3A_181 : i32 to vector<16xi32>
      %parallel_loop3A_183 = arith.addi %parallel_loop3A_179, %parallel_loop3A_182 : vector<16xi32>
      %parallel_loop3A_184 = tpu.vector_load_idx %arg5[%parallel_loop3A_183] : memref<16384xf32, #tpu.memory_space<vmem>>[vector<16xi32>], vector<16xf32>,
      %parallel_loop3A_185 = arith.constant 1 : i32
      %parallel_loop3A_186 = arith.addi %add3A_35, %parallel_loop3A_185 : i32
      %parallel_loop3A_187 = vector.broadcast %parallel_loop3A_186 : i32 to vector<16xi32>
      %parallel_loop3A_188 = arith.addi %parallel_loop3A_179, %parallel_loop3A_187 : vector<16xi32>
      %parallel_loop3A_189 = tpu.vector_load_idx %arg5[%parallel_loop3A_188] : memref<16384xf32, #tpu.memory_space<vmem>>[vector<16xi32>], vector<16xf32>,
      %parallel_loop3A_190 = arith.constant 2 : i32
      %parallel_loop3A_191 = arith.addi %add3A_35, %parallel_loop3A_190 : i32
      %parallel_loop3A_192 = vector.broadcast %parallel_loop3A_191 : i32 to vector<16xi32>
      %parallel_loop3A_193 = arith.addi %parallel_loop3A_179, %parallel_loop3A_192 : vector<16xi32>
      %parallel_loop3A_194 = tpu.vector_load_idx %arg5[%parallel_loop3A_193] : memref<16384xf32, #tpu.memory_space<vmem>>[vector<16xi32>], vector<16xf32>,
      %parallel_loop3A_195 = arith.constant 3 : i32
      %parallel_loop3A_196 = arith.addi %add3A_35, %parallel_loop3A_195 : i32
      %parallel_loop3A_197 = vector.broadcast %parallel_loop3A_196 : i32 to vector<16xi32>
      %parallel_loop3A_198 = arith.addi %parallel_loop3A_179, %parallel_loop3A_197 : vector<16xi32>
      %parallel_loop3A_199 = tpu.vector_load_idx %arg5[%parallel_loop3A_198] : memref<16384xf32, #tpu.memory_space<vmem>>[vector<16xi32>], vector<16xf32>,
      %parallel_loop3A_200 = arith.constant 4 : i32
      %parallel_loop3A_201 = arith.addi %add3A_35, %parallel_loop3A_200 : i32
      %parallel_loop3A_202 = vector.broadcast %parallel_loop3A_201 : i32 to vector<16xi32>
      %parallel_loop3A_203 = arith.addi %parallel_loop3A_179, %parallel_loop3A_202 : vector<16xi32>
      %parallel_loop3A_204 = tpu.vector_load_idx %arg5[%parallel_loop3A_203] : memref<16384xf32, #tpu.memory_space<vmem>>[vector<16xi32>], vector<16xf32>,
      %parallel_loop3A_205 = arith.constant 5 : i32
      %parallel_loop3A_206 = arith.addi %add3A_35, %parallel_loop3A_205 : i32
      %parallel_loop3A_207 = vector.broadcast %parallel_loop3A_206 : i32 to vector<16xi32>
      %parallel_loop3A_208 = arith.addi %parallel_loop3A_179, %parallel_loop3A_207 : vector<16xi32>
      %parallel_loop3A_209 = tpu.vector_load_idx %arg5[%parallel_loop3A_208] : memref<16384xf32, #tpu.memory_space<vmem>>[vector<16xi32>], vector<16xf32>,
      %parallel_loop3A_210 = arith.constant 6 : i32
      %parallel_loop3A_211 = arith.addi %add3A_35, %parallel_loop3A_210 : i32
      %parallel_loop3A_212 = vector.broadcast %parallel_loop3A_211 : i32 to vector<16xi32>
      %parallel_loop3A_213 = arith.addi %parallel_loop3A_179, %parallel_loop3A_212 : vector<16xi32>
      %parallel_loop3A_214 = tpu.vector_load_idx %arg5[%parallel_loop3A_213] : memref<16384xf32, #tpu.memory_space<vmem>>[vector<16xi32>], vector<16xf32>,
      %parallel_loop3A_215 = arith.constant 7 : i32
      %parallel_loop3A_216 = arith.addi %add3A_35, %parallel_loop3A_215 : i32
      %parallel_loop3A_217 = vector.broadcast %parallel_loop3A_216 : i32 to vector<16xi32>
      %parallel_loop3A_218 = arith.addi %parallel_loop3A_179, %parallel_loop3A_217 : vector<16xi32>
      %parallel_loop3A_219 = tpu.vector_load_idx %arg5[%parallel_loop3A_218] : memref<16384xf32, #tpu.memory_space<vmem>>[vector<16xi32>], vector<16xf32>,
      %parallel_loop3A_220 = arith.constant 0 : i32
      %parallel_loop3A_221 = arith.constant 0 : i32
      %parallel_loop3A_222 = tpu.memref_slice %arg7[%parallel_loop3A_149, %parallel_loop3A_220, %parallel_loop3A_221] : memref<32x8x128xf32, #tpu.memory_space<vmem>> -> memref<1x1x128xf32, #tpu.memory_space<vmem>>
      %parallel_loop3A_223 = tpu.memref_squeeze %parallel_loop3A_222 : memref<1x1x128xf32, #tpu.memory_space<vmem>> -> memref<128xf32, #tpu.memory_space<vmem>>
      %parallel_loop3A_224 = arith.index_cast %parallel_loop3A_168 : i32 to index
      %parallel_loop3A_225 = tpu.vector_load %parallel_loop3A_223[%parallel_loop3A_224] {strides = array<i32>} : memref<128xf32, #tpu.memory_space<vmem>>, vector<16xf32>,
      tpu.vector_store %parallel_loop3A_223[%parallel_loop3A_224], %parallel_loop3A_184 {strides = array<i32>} : memref<128xf32, #tpu.memory_space<vmem>>, vector<16xf32>,
      %parallel_loop3A_226 = arith.constant 1 : i32
      %parallel_loop3A_227 = arith.constant 0 : i32
      %parallel_loop3A_228 = tpu.memref_slice %arg7[%parallel_loop3A_149, %parallel_loop3A_226, %parallel_loop3A_227] : memref<32x8x128xf32, #tpu.memory_space<vmem>> -> memref<1x1x128xf32, #tpu.memory_space<vmem>>
      %parallel_loop3A_229 = tpu.memref_squeeze %parallel_loop3A_228 : memref<1x1x128xf32, #tpu.memory_space<vmem>> -> memref<128xf32, #tpu.memory_space<vmem>>
      %parallel_loop3A_230 = arith.index_cast %parallel_loop3A_168 : i32 to index
      %parallel_loop3A_231 = tpu.vector_load %parallel_loop3A_229[%parallel_loop3A_230] {strides = array<i32>} : memref<128xf32, #tpu.memory_space<vmem>>, vector<16xf32>,
      tpu.vector_store %parallel_loop3A_229[%parallel_loop3A_230], %parallel_loop3A_189 {strides = array<i32>} : memref<128xf32, #tpu.memory_space<vmem>>, vector<16xf32>,
      %parallel_loop3A_232 = arith.constant 2 : i32
      %parallel_loop3A_233 = arith.constant 0 : i32
      %parallel_loop3A_234 = tpu.memref_slice %arg7[%parallel_loop3A_149, %parallel_loop3A_232, %parallel_loop3A_233] : memref<32x8x128xf32, #tpu.memory_space<vmem>> -> memref<1x1x128xf32, #tpu.memory_space<vmem>>
      %parallel_loop3A_235 = tpu.memref_squeeze %parallel_loop3A_234 : memref<1x1x128xf32, #tpu.memory_space<vmem>> -> memref<128xf32, #tpu.memory_space<vmem>>
      %parallel_loop3A_236 = arith.index_cast %parallel_loop3A_168 : i32 to index
      %parallel_loop3A_237 = tpu.vector_load %parallel_loop3A_235[%parallel_loop3A_236] {strides = array<i32>} : memref<128xf32, #tpu.memory_space<vmem>>, vector<16xf32>,
      tpu.vector_store %parallel_loop3A_235[%parallel_loop3A_236], %parallel_loop3A_194 {strides = array<i32>} : memref<128xf32, #tpu.memory_space<vmem>>, vector<16xf32>,
      %parallel_loop3A_238 = arith.constant 3 : i32
      %parallel_loop3A_239 = arith.constant 0 : i32
      %parallel_loop3A_240 = tpu.memref_slice %arg7[%parallel_loop3A_149, %parallel_loop3A_238, %parallel_loop3A_239] : memref<32x8x128xf32, #tpu.memory_space<vmem>> -> memref<1x1x128xf32, #tpu.memory_space<vmem>>
      %parallel_loop3A_241 = tpu.memref_squeeze %parallel_loop3A_240 : memref<1x1x128xf32, #tpu.memory_space<vmem>> -> memref<128xf32, #tpu.memory_space<vmem>>
      %parallel_loop3A_242 = arith.index_cast %parallel_loop3A_168 : i32 to index
      %parallel_loop3A_243 = tpu.vector_load %parallel_loop3A_241[%parallel_loop3A_242] {strides = array<i32>} : memref<128xf32, #tpu.memory_space<vmem>>, vector<16xf32>,
      tpu.vector_store %parallel_loop3A_241[%parallel_loop3A_242], %parallel_loop3A_199 {strides = array<i32>} : memref<128xf32, #tpu.memory_space<vmem>>, vector<16xf32>,
      %parallel_loop3A_244 = arith.constant 4 : i32
      %parallel_loop3A_245 = arith.constant 0 : i32
      %parallel_loop3A_246 = tpu.memref_slice %arg7[%parallel_loop3A_149, %parallel_loop3A_244, %parallel_loop3A_245] : memref<32x8x128xf32, #tpu.memory_space<vmem>> -> memref<1x1x128xf32, #tpu.memory_space<vmem>>
      %parallel_loop3A_247 = tpu.memref_squeeze %parallel_loop3A_246 : memref<1x1x128xf32, #tpu.memory_space<vmem>> -> memref<128xf32, #tpu.memory_space<vmem>>
      %parallel_loop3A_248 = arith.index_cast %parallel_loop3A_168 : i32 to index
      %parallel_loop3A_249 = tpu.vector_load %parallel_loop3A_247[%parallel_loop3A_248] {strides = array<i32>} : memref<128xf32, #tpu.memory_space<vmem>>, vector<16xf32>,
      tpu.vector_store %parallel_loop3A_247[%parallel_loop3A_248], %parallel_loop3A_204 {strides = array<i32>} : memref<128xf32, #tpu.memory_space<vmem>>, vector<16xf32>,
      %parallel_loop3A_250 = arith.constant 5 : i32
      %parallel_loop3A_251 = arith.constant 0 : i32
      %parallel_loop3A_252 = tpu.memref_slice %arg7[%parallel_loop3A_149, %parallel_loop3A_250, %parallel_loop3A_251] : memref<32x8x128xf32, #tpu.memory_space<vmem>> -> memref<1x1x128xf32, #tpu.memory_space<vmem>>
      %parallel_loop3A_253 = tpu.memref_squeeze %parallel_loop3A_252 : memref<1x1x128xf32, #tpu.memory_space<vmem>> -> memref<128xf32, #tpu.memory_space<vmem>>
      %parallel_loop3A_254 = arith.index_cast %parallel_loop3A_168 : i32 to index
      %parallel_loop3A_255 = tpu.vector_load %parallel_loop3A_253[%parallel_loop3A_254] {strides = array<i32>} : memref<128xf32, #tpu.memory_space<vmem>>, vector<16xf32>,
      tpu.vector_store %parallel_loop3A_253[%parallel_loop3A_254], %parallel_loop3A_209 {strides = array<i32>} : memref<128xf32, #tpu.memory_space<vmem>>, vector<16xf32>,
      %parallel_loop3A_256 = arith.constant 6 : i32
      %parallel_loop3A_257 = arith.constant 0 : i32
      %parallel_loop3A_258 = tpu.memref_slice %arg7[%parallel_loop3A_149, %parallel_loop3A_256, %parallel_loop3A_257] : memref<32x8x128xf32, #tpu.memory_space<vmem>> -> memref<1x1x128xf32, #tpu.memory_space<vmem>>
      %parallel_loop3A_259 = tpu.memref_squeeze %parallel_loop3A_258 : memref<1x1x128xf32, #tpu.memory_space<vmem>> -> memref<128xf32, #tpu.memory_space<vmem>>
      %parallel_loop3A_260 = arith.index_cast %parallel_loop3A_168 : i32 to index
      %parallel_loop3A_261 = tpu.vector_load %parallel_loop3A_259[%parallel_loop3A_260] {strides = array<i32>} : memref<128xf32, #tpu.memory_space<vmem>>, vector<16xf32>,
      tpu.vector_store %parallel_loop3A_259[%parallel_loop3A_260], %parallel_loop3A_214 {strides = array<i32>} : memref<128xf32, #tpu.memory_space<vmem>>, vector<16xf32>,
      %parallel_loop3A_262 = arith.constant 7 : i32
      %parallel_loop3A_263 = arith.constant 0 : i32
      %parallel_loop3A_264 = tpu.memref_slice %arg7[%parallel_loop3A_149, %parallel_loop3A_262, %parallel_loop3A_263] : memref<32x8x128xf32, #tpu.memory_space<vmem>> -> memref<1x1x128xf32, #tpu.memory_space<vmem>>
      %parallel_loop3A_265 = tpu.memref_squeeze %parallel_loop3A_264 : memref<1x1x128xf32, #tpu.memory_space<vmem>> -> memref<128xf32, #tpu.memory_space<vmem>>
      %parallel_loop3A_266 = arith.index_cast %parallel_loop3A_168 : i32 to index
      %parallel_loop3A_267 = tpu.vector_load %parallel_loop3A_265[%parallel_loop3A_266] {strides = array<i32>} : memref<128xf32, #tpu.memory_space<vmem>>, vector<16xf32>,
      tpu.vector_store %parallel_loop3A_265[%parallel_loop3A_266], %parallel_loop3A_219 {strides = array<i32>} : memref<128xf32, #tpu.memory_space<vmem>>, vector<16xf32>,
    } {sc.loop_unroll_factor = 8 : i64, sc.parallel_access}
    %dma_start3A = arith.constant 0 : i32
    %dma_start3A_38 = arith.constant 0 : i32
    %dma_start3A_39 = arith.constant 0 : i32
    %dma_start3A_40 = tpu.memref_slice %arg4[%add3A, %dma_start3A, %dma_start3A_38, %dma_start3A_39] : memref<32x128x8x128xf32, #tpu.memory_space<hbm>> -> memref<1x32x8x128xf32, #tpu.memory_space<hbm>>
    %dma_start3A_41 = tpu.memref_squeeze %dma_start3A_40 : memref<1x32x8x128xf32, #tpu.memory_space<hbm>> -> memref<32x8x128xf32, #tpu.memory_space<hbm>>
    %dma_start3A_42 = arith.constant 0 : i32
    %dma_start3A_43 = arith.constant 0 : i32
    %dma_start3A_44 = arith.constant 0 : i32
    %dma_start3A_45 = tpu.memref_slice %arg4[%add3A, %dma_start3A_42, %dma_start3A_43, %dma_start3A_44] : memref<32x128x8x128xf32, #tpu.memory_space<hbm>> -> memref<1x32x8x128xf32, #tpu.memory_space<hbm>>
    %dma_start3A_46 = tpu.memref_squeeze %dma_start3A_45 : memref<1x32x8x128xf32, #tpu.memory_space<hbm>> -> memref<32x8x128xf32, #tpu.memory_space<hbm>>
    tpu.enqueue_dma source(%arg7 : memref<32x8x128xf32, #tpu.memory_space<vmem>>) target(%dma_start3A_46 : memref<32x8x128xf32, #tpu.memory_space<hbm>>) target_semaphore(%arg9 : memref<!tpu.dma_semaphore, #tpu.memory_space<semaphore_mem>>)
    %parallel_loop3A_47 = arith.constant 0 : i32
    %parallel_loop3A_48 = arith.constant 256 : i32
    %parallel_loop3A_49 = arith.constant 1 : i32
    scf.for %parallel_loop3A_125 = %parallel_loop3A_47 to %parallel_loop3A_48 step %parallel_loop3A_49  : i32 {
      %parallel_loop3A_126 = arith.constant 8 : i32
      %parallel_loop3A_127 = arith.divsi %parallel_loop3A_125, %parallel_loop3A_126 : i32
      %parallel_loop3A_128 = arith.constant 0 : i32
      %parallel_loop3A_129 = arith.cmpi sgt, %parallel_loop3A_125, %parallel_loop3A_128 : i32
      %parallel_loop3A_130 = arith.extui %parallel_loop3A_129 : i1 to i32
      %parallel_loop3A_131 = arith.constant 0 : i32
      %parallel_loop3A_132 = arith.cmpi slt, %parallel_loop3A_125, %parallel_loop3A_131 : i32
      %parallel_loop3A_133 = arith.extui %parallel_loop3A_132 : i1 to i32
      %parallel_loop3A_134 = arith.subi %parallel_loop3A_130, %parallel_loop3A_133 : i32
      %parallel_loop3A_135 = arith.constant 0 : i32
      %parallel_loop3A_136 = arith.cmpi sgt, %parallel_loop3A_126, %parallel_loop3A_135 : i32
      %parallel_loop3A_137 = arith.extui %parallel_loop3A_136 : i1 to i32
      %parallel_loop3A_138 = arith.constant 0 : i32
      %parallel_loop3A_139 = arith.cmpi slt, %parallel_loop3A_126, %parallel_loop3A_138 : i32
      %parallel_loop3A_140 = arith.extui %parallel_loop3A_139 : i1 to i32
      %parallel_loop3A_141 = arith.subi %parallel_loop3A_137, %parallel_loop3A_140 : i32
      %parallel_loop3A_142 = arith.cmpi ne, %parallel_loop3A_134, %parallel_loop3A_141 : i32
      %parallel_loop3A_143 = arith.remsi %parallel_loop3A_125, %parallel_loop3A_126 : i32
      %parallel_loop3A_144 = arith.constant 0 : i32
      %parallel_loop3A_145 = arith.cmpi ne, %parallel_loop3A_143, %parallel_loop3A_144 : i32
      %parallel_loop3A_146 = arith.andi %parallel_loop3A_142, %parallel_loop3A_145 : i1
      %parallel_loop3A_147 = arith.constant 1 : i32
      %parallel_loop3A_148 = arith.subi %parallel_loop3A_127, %parallel_loop3A_147 : i32
      %parallel_loop3A_149 = arith.select %parallel_loop3A_146, %parallel_loop3A_148, %parallel_loop3A_127 : i32
      %parallel_loop3A_150 = arith.constant 8 : i32
      %parallel_loop3A_151 = arith.constant 0 : i32
      %parallel_loop3A_152 = arith.cmpi eq, %parallel_loop3A_150, %parallel_loop3A_151 : i32
      %parallel_loop3A_153 = arith.constant 1 : i32
      %parallel_loop3A_154 = arith.select %parallel_loop3A_152, %parallel_loop3A_153, %parallel_loop3A_150 : i32
      %parallel_loop3A_155 = arith.remsi %parallel_loop3A_125, %parallel_loop3A_154 : i32
      %parallel_loop3A_156 = arith.constant 0 : i32
      %parallel_loop3A_157 = arith.cmpi ne, %parallel_loop3A_155, %parallel_loop3A_156 : i32
      %parallel_loop3A_158 = arith.constant 0 : i32
      %parallel_loop3A_159 = arith.cmpi slt, %parallel_loop3A_155, %parallel_loop3A_158 : i32
      %parallel_loop3A_160 = arith.constant 0 : i32
      %parallel_loop3A_161 = arith.cmpi slt, %parallel_loop3A_154, %parallel_loop3A_160 : i32
      %parallel_loop3A_162 = arith.xori %parallel_loop3A_159, %parallel_loop3A_161 : i1
      %parallel_loop3A_163 = arith.andi %parallel_loop3A_162, %parallel_loop3A_157 : i1
      %parallel_loop3A_164 = arith.addi %parallel_loop3A_155, %parallel_loop3A_154 : i32
      %parallel_loop3A_165 = arith.select %parallel_loop3A_163, %parallel_loop3A_164, %parallel_loop3A_155 : i32
      %parallel_loop3A_166 = arith.constant 16 : i32
      %parallel_loop3A_167 = arith.muli %parallel_loop3A_165, %parallel_loop3A_166 : i32
      %parallel_loop3A_168 = tpu.assume_multiple %parallel_loop3A_167, 16 : i32
      %parallel_loop3A_169 = arith.constant 32 : i32
      %parallel_loop3A_170 = arith.addi %parallel_loop3A_169, %parallel_loop3A_149 : i32
      %parallel_loop3A_171 = arith.constant 0 : i32
      %parallel_loop3A_172 = arith.constant 0 : i32
      %parallel_loop3A_173 = tpu.memref_slice %arg6[%parallel_loop3A_170, %parallel_loop3A_171, %parallel_loop3A_172] : memref<128x1x128xi32, #tpu.memory_space<vmem>> -> memref<1x1x128xi32, #tpu.memory_space<vmem>>
      %parallel_loop3A_174 = tpu.memref_squeeze %parallel_loop3A_173 : memref<1x1x128xi32, #tpu.memory_space<vmem>> -> memref<128xi32, #tpu.memory_space<vmem>>
      %parallel_loop3A_175 = arith.index_cast %parallel_loop3A_168 : i32 to index
      %parallel_loop3A_176 = tpu.vector_load %parallel_loop3A_174[%parallel_loop3A_175] {strides = array<i32>} : memref<128xi32, #tpu.memory_space<vmem>>, vector<16xi32>,
      %parallel_loop3A_177 = arith.constant 64 : i32
      %parallel_loop3A_178 = vector.broadcast %parallel_loop3A_177 : i32 to vector<16xi32>
      %parallel_loop3A_179 = arith.muli %parallel_loop3A_176, %parallel_loop3A_178 : vector<16xi32>
      %parallel_loop3A_180 = arith.constant 0 : i32
      %parallel_loop3A_181 = arith.addi %add3A_35, %parallel_loop3A_180 : i32
      %parallel_loop3A_182 = vector.broadcast %parallel_loop3A_181 : i32 to vector<16xi32>
      %parallel_loop3A_183 = arith.addi %parallel_loop3A_179, %parallel_loop3A_182 : vector<16xi32>
      %parallel_loop3A_184 = tpu.vector_load_idx %arg5[%parallel_loop3A_183] : memref<16384xf32, #tpu.memory_space<vmem>>[vector<16xi32>], vector<16xf32>,
      %parallel_loop3A_185 = arith.constant 1 : i32
      %parallel_loop3A_186 = arith.addi %add3A_35, %parallel_loop3A_185 : i32
      %parallel_loop3A_187 = vector.broadcast %parallel_loop3A_186 : i32 to vector<16xi32>
      %parallel_loop3A_188 = arith.addi %parallel_loop3A_179, %parallel_loop3A_187 : vector<16xi32>
      %parallel_loop3A_189 = tpu.vector_load_idx %arg5[%parallel_loop3A_188] : memref<16384xf32, #tpu.memory_space<vmem>>[vector<16xi32>], vector<16xf32>,
      %parallel_loop3A_190 = arith.constant 2 : i32
      %parallel_loop3A_191 = arith.addi %add3A_35, %parallel_loop3A_190 : i32
      %parallel_loop3A_192 = vector.broadcast %parallel_loop3A_191 : i32 to vector<16xi32>
      %parallel_loop3A_193 = arith.addi %parallel_loop3A_179, %parallel_loop3A_192 : vector<16xi32>
      %parallel_loop3A_194 = tpu.vector_load_idx %arg5[%parallel_loop3A_193] : memref<16384xf32, #tpu.memory_space<vmem>>[vector<16xi32>], vector<16xf32>,
      %parallel_loop3A_195 = arith.constant 3 : i32
      %parallel_loop3A_196 = arith.addi %add3A_35, %parallel_loop3A_195 : i32
      %parallel_loop3A_197 = vector.broadcast %parallel_loop3A_196 : i32 to vector<16xi32>
      %parallel_loop3A_198 = arith.addi %parallel_loop3A_179, %parallel_loop3A_197 : vector<16xi32>
      %parallel_loop3A_199 = tpu.vector_load_idx %arg5[%parallel_loop3A_198] : memref<16384xf32, #tpu.memory_space<vmem>>[vector<16xi32>], vector<16xf32>,
      %parallel_loop3A_200 = arith.constant 4 : i32
      %parallel_loop3A_201 = arith.addi %add3A_35, %parallel_loop3A_200 : i32
      %parallel_loop3A_202 = vector.broadcast %parallel_loop3A_201 : i32 to vector<16xi32>
      %parallel_loop3A_203 = arith.addi %parallel_loop3A_179, %parallel_loop3A_202 : vector<16xi32>
      %parallel_loop3A_204 = tpu.vector_load_idx %arg5[%parallel_loop3A_203] : memref<16384xf32, #tpu.memory_space<vmem>>[vector<16xi32>], vector<16xf32>,
      %parallel_loop3A_205 = arith.constant 5 : i32
      %parallel_loop3A_206 = arith.addi %add3A_35, %parallel_loop3A_205 : i32
      %parallel_loop3A_207 = vector.broadcast %parallel_loop3A_206 : i32 to vector<16xi32>
      %parallel_loop3A_208 = arith.addi %parallel_loop3A_179, %parallel_loop3A_207 : vector<16xi32>
      %parallel_loop3A_209 = tpu.vector_load_idx %arg5[%parallel_loop3A_208] : memref<16384xf32, #tpu.memory_space<vmem>>[vector<16xi32>], vector<16xf32>,
      %parallel_loop3A_210 = arith.constant 6 : i32
      %parallel_loop3A_211 = arith.addi %add3A_35, %parallel_loop3A_210 : i32
      %parallel_loop3A_212 = vector.broadcast %parallel_loop3A_211 : i32 to vector<16xi32>
      %parallel_loop3A_213 = arith.addi %parallel_loop3A_179, %parallel_loop3A_212 : vector<16xi32>
      %parallel_loop3A_214 = tpu.vector_load_idx %arg5[%parallel_loop3A_213] : memref<16384xf32, #tpu.memory_space<vmem>>[vector<16xi32>], vector<16xf32>,
      %parallel_loop3A_215 = arith.constant 7 : i32
      %parallel_loop3A_216 = arith.addi %add3A_35, %parallel_loop3A_215 : i32
      %parallel_loop3A_217 = vector.broadcast %parallel_loop3A_216 : i32 to vector<16xi32>
      %parallel_loop3A_218 = arith.addi %parallel_loop3A_179, %parallel_loop3A_217 : vector<16xi32>
      %parallel_loop3A_219 = tpu.vector_load_idx %arg5[%parallel_loop3A_218] : memref<16384xf32, #tpu.memory_space<vmem>>[vector<16xi32>], vector<16xf32>,
      %parallel_loop3A_220 = arith.constant 0 : i32
      %parallel_loop3A_221 = arith.constant 0 : i32
      %parallel_loop3A_222 = tpu.memref_slice %arg8[%parallel_loop3A_149, %parallel_loop3A_220, %parallel_loop3A_221] : memref<32x8x128xf32, #tpu.memory_space<vmem>> -> memref<1x1x128xf32, #tpu.memory_space<vmem>>
      %parallel_loop3A_223 = tpu.memref_squeeze %parallel_loop3A_222 : memref<1x1x128xf32, #tpu.memory_space<vmem>> -> memref<128xf32, #tpu.memory_space<vmem>>
      %parallel_loop3A_224 = arith.index_cast %parallel_loop3A_168 : i32 to index
      %parallel_loop3A_225 = tpu.vector_load %parallel_loop3A_223[%parallel_loop3A_224] {strides = array<i32>} : memref<128xf32, #tpu.memory_space<vmem>>, vector<16xf32>,
      tpu.vector_store %parallel_loop3A_223[%parallel_loop3A_224], %parallel_loop3A_184 {strides = array<i32>} : memref<128xf32, #tpu.memory_space<vmem>>, vector<16xf32>,
      %parallel_loop3A_226 = arith.constant 1 : i32
      %parallel_loop3A_227 = arith.constant 0 : i32
      %parallel_loop3A_228 = tpu.memref_slice %arg8[%parallel_loop3A_149, %parallel_loop3A_226, %parallel_loop3A_227] : memref<32x8x128xf32, #tpu.memory_space<vmem>> -> memref<1x1x128xf32, #tpu.memory_space<vmem>>
      %parallel_loop3A_229 = tpu.memref_squeeze %parallel_loop3A_228 : memref<1x1x128xf32, #tpu.memory_space<vmem>> -> memref<128xf32, #tpu.memory_space<vmem>>
      %parallel_loop3A_230 = arith.index_cast %parallel_loop3A_168 : i32 to index
      %parallel_loop3A_231 = tpu.vector_load %parallel_loop3A_229[%parallel_loop3A_230] {strides = array<i32>} : memref<128xf32, #tpu.memory_space<vmem>>, vector<16xf32>,
      tpu.vector_store %parallel_loop3A_229[%parallel_loop3A_230], %parallel_loop3A_189 {strides = array<i32>} : memref<128xf32, #tpu.memory_space<vmem>>, vector<16xf32>,
      %parallel_loop3A_232 = arith.constant 2 : i32
      %parallel_loop3A_233 = arith.constant 0 : i32
      %parallel_loop3A_234 = tpu.memref_slice %arg8[%parallel_loop3A_149, %parallel_loop3A_232, %parallel_loop3A_233] : memref<32x8x128xf32, #tpu.memory_space<vmem>> -> memref<1x1x128xf32, #tpu.memory_space<vmem>>
      %parallel_loop3A_235 = tpu.memref_squeeze %parallel_loop3A_234 : memref<1x1x128xf32, #tpu.memory_space<vmem>> -> memref<128xf32, #tpu.memory_space<vmem>>
      %parallel_loop3A_236 = arith.index_cast %parallel_loop3A_168 : i32 to index
      %parallel_loop3A_237 = tpu.vector_load %parallel_loop3A_235[%parallel_loop3A_236] {strides = array<i32>} : memref<128xf32, #tpu.memory_space<vmem>>, vector<16xf32>,
      tpu.vector_store %parallel_loop3A_235[%parallel_loop3A_236], %parallel_loop3A_194 {strides = array<i32>} : memref<128xf32, #tpu.memory_space<vmem>>, vector<16xf32>,
      %parallel_loop3A_238 = arith.constant 3 : i32
      %parallel_loop3A_239 = arith.constant 0 : i32
      %parallel_loop3A_240 = tpu.memref_slice %arg8[%parallel_loop3A_149, %parallel_loop3A_238, %parallel_loop3A_239] : memref<32x8x128xf32, #tpu.memory_space<vmem>> -> memref<1x1x128xf32, #tpu.memory_space<vmem>>
      %parallel_loop3A_241 = tpu.memref_squeeze %parallel_loop3A_240 : memref<1x1x128xf32, #tpu.memory_space<vmem>> -> memref<128xf32, #tpu.memory_space<vmem>>
      %parallel_loop3A_242 = arith.index_cast %parallel_loop3A_168 : i32 to index
      %parallel_loop3A_243 = tpu.vector_load %parallel_loop3A_241[%parallel_loop3A_242] {strides = array<i32>} : memref<128xf32, #tpu.memory_space<vmem>>, vector<16xf32>,
      tpu.vector_store %parallel_loop3A_241[%parallel_loop3A_242], %parallel_loop3A_199 {strides = array<i32>} : memref<128xf32, #tpu.memory_space<vmem>>, vector<16xf32>,
      %parallel_loop3A_244 = arith.constant 4 : i32
      %parallel_loop3A_245 = arith.constant 0 : i32
      %parallel_loop3A_246 = tpu.memref_slice %arg8[%parallel_loop3A_149, %parallel_loop3A_244, %parallel_loop3A_245] : memref<32x8x128xf32, #tpu.memory_space<vmem>> -> memref<1x1x128xf32, #tpu.memory_space<vmem>>
      %parallel_loop3A_247 = tpu.memref_squeeze %parallel_loop3A_246 : memref<1x1x128xf32, #tpu.memory_space<vmem>> -> memref<128xf32, #tpu.memory_space<vmem>>
      %parallel_loop3A_248 = arith.index_cast %parallel_loop3A_168 : i32 to index
      %parallel_loop3A_249 = tpu.vector_load %parallel_loop3A_247[%parallel_loop3A_248] {strides = array<i32>} : memref<128xf32, #tpu.memory_space<vmem>>, vector<16xf32>,
      tpu.vector_store %parallel_loop3A_247[%parallel_loop3A_248], %parallel_loop3A_204 {strides = array<i32>} : memref<128xf32, #tpu.memory_space<vmem>>, vector<16xf32>,
      %parallel_loop3A_250 = arith.constant 5 : i32
      %parallel_loop3A_251 = arith.constant 0 : i32
      %parallel_loop3A_252 = tpu.memref_slice %arg8[%parallel_loop3A_149, %parallel_loop3A_250, %parallel_loop3A_251] : memref<32x8x128xf32, #tpu.memory_space<vmem>> -> memref<1x1x128xf32, #tpu.memory_space<vmem>>
      %parallel_loop3A_253 = tpu.memref_squeeze %parallel_loop3A_252 : memref<1x1x128xf32, #tpu.memory_space<vmem>> -> memref<128xf32, #tpu.memory_space<vmem>>
      %parallel_loop3A_254 = arith.index_cast %parallel_loop3A_168 : i32 to index
      %parallel_loop3A_255 = tpu.vector_load %parallel_loop3A_253[%parallel_loop3A_254] {strides = array<i32>} : memref<128xf32, #tpu.memory_space<vmem>>, vector<16xf32>,
      tpu.vector_store %parallel_loop3A_253[%parallel_loop3A_254], %parallel_loop3A_209 {strides = array<i32>} : memref<128xf32, #tpu.memory_space<vmem>>, vector<16xf32>,
      %parallel_loop3A_256 = arith.constant 6 : i32
      %parallel_loop3A_257 = arith.constant 0 : i32
      %parallel_loop3A_258 = tpu.memref_slice %arg8[%parallel_loop3A_149, %parallel_loop3A_256, %parallel_loop3A_257] : memref<32x8x128xf32, #tpu.memory_space<vmem>> -> memref<1x1x128xf32, #tpu.memory_space<vmem>>
      %parallel_loop3A_259 = tpu.memref_squeeze %parallel_loop3A_258 : memref<1x1x128xf32, #tpu.memory_space<vmem>> -> memref<128xf32, #tpu.memory_space<vmem>>
      %parallel_loop3A_260 = arith.index_cast %parallel_loop3A_168 : i32 to index
      %parallel_loop3A_261 = tpu.vector_load %parallel_loop3A_259[%parallel_loop3A_260] {strides = array<i32>} : memref<128xf32, #tpu.memory_space<vmem>>, vector<16xf32>,
      tpu.vector_store %parallel_loop3A_259[%parallel_loop3A_260], %parallel_loop3A_214 {strides = array<i32>} : memref<128xf32, #tpu.memory_space<vmem>>, vector<16xf32>,
      %parallel_loop3A_262 = arith.constant 7 : i32
      %parallel_loop3A_263 = arith.constant 0 : i32
      %parallel_loop3A_264 = tpu.memref_slice %arg8[%parallel_loop3A_149, %parallel_loop3A_262, %parallel_loop3A_263] : memref<32x8x128xf32, #tpu.memory_space<vmem>> -> memref<1x1x128xf32, #tpu.memory_space<vmem>>
      %parallel_loop3A_265 = tpu.memref_squeeze %parallel_loop3A_264 : memref<1x1x128xf32, #tpu.memory_space<vmem>> -> memref<128xf32, #tpu.memory_space<vmem>>
      %parallel_loop3A_266 = arith.index_cast %parallel_loop3A_168 : i32 to index
      %parallel_loop3A_267 = tpu.vector_load %parallel_loop3A_265[%parallel_loop3A_266] {strides = array<i32>} : memref<128xf32, #tpu.memory_space<vmem>>, vector<16xf32>,
      tpu.vector_store %parallel_loop3A_265[%parallel_loop3A_266], %parallel_loop3A_219 {strides = array<i32>} : memref<128xf32, #tpu.memory_space<vmem>>, vector<16xf32>,
    } {sc.loop_unroll_factor = 8 : i64, sc.parallel_access}
    %dma_start3A_50 = arith.constant 32 : i32
    %dma_start3A_51 = arith.constant 0 : i32
    %dma_start3A_52 = arith.constant 0 : i32
    %dma_start3A_53 = tpu.memref_slice %arg4[%add3A, %dma_start3A_50, %dma_start3A_51, %dma_start3A_52] : memref<32x128x8x128xf32, #tpu.memory_space<hbm>> -> memref<1x32x8x128xf32, #tpu.memory_space<hbm>>
    %dma_start3A_54 = tpu.memref_squeeze %dma_start3A_53 : memref<1x32x8x128xf32, #tpu.memory_space<hbm>> -> memref<32x8x128xf32, #tpu.memory_space<hbm>>
    %dma_start3A_55 = arith.constant 32 : i32
    %dma_start3A_56 = arith.constant 0 : i32
    %dma_start3A_57 = arith.constant 0 : i32
    %dma_start3A_58 = tpu.memref_slice %arg4[%add3A, %dma_start3A_55, %dma_start3A_56, %dma_start3A_57] : memref<32x128x8x128xf32, #tpu.memory_space<hbm>> -> memref<1x32x8x128xf32, #tpu.memory_space<hbm>>
    %dma_start3A_59 = tpu.memref_squeeze %dma_start3A_58 : memref<1x32x8x128xf32, #tpu.memory_space<hbm>> -> memref<32x8x128xf32, #tpu.memory_space<hbm>>
    tpu.enqueue_dma source(%arg8 : memref<32x8x128xf32, #tpu.memory_space<vmem>>) target(%dma_start3A_59 : memref<32x8x128xf32, #tpu.memory_space<hbm>>) target_semaphore(%arg10 : memref<!tpu.dma_semaphore, #tpu.memory_space<semaphore_mem>>)
    %dma_wait3A = arith.constant 0 : i32
    %dma_wait3A_60 = arith.constant 0 : i32
    %dma_wait3A_61 = arith.constant 0 : i32
    %dma_wait3A_62 = tpu.memref_slice %arg4[%add3A, %dma_wait3A, %dma_wait3A_60, %dma_wait3A_61] : memref<32x128x8x128xf32, #tpu.memory_space<hbm>> -> memref<1x32x8x128xf32, #tpu.memory_space<hbm>>
    %dma_wait3A_63 = tpu.memref_squeeze %dma_wait3A_62 : memref<1x32x8x128xf32, #tpu.memory_space<hbm>> -> memref<32x8x128xf32, #tpu.memory_space<hbm>>
    %dma_wait3A_64 = arith.constant 0 : i32
    %dma_wait3A_65 = arith.constant 0 : i32
    %dma_wait3A_66 = arith.constant 0 : i32
    %dma_wait3A_67 = tpu.memref_slice %arg4[%add3A, %dma_wait3A_64, %dma_wait3A_65, %dma_wait3A_66] : memref<32x128x8x128xf32, #tpu.memory_space<hbm>> -> memref<1x32x8x128xf32, #tpu.memory_space<hbm>>
    %dma_wait3A_68 = tpu.memref_squeeze %dma_wait3A_67 : memref<1x32x8x128xf32, #tpu.memory_space<hbm>> -> memref<32x8x128xf32, #tpu.memory_space<hbm>>
    tpu.wait_dma2 semaphore(%arg9 : memref<!tpu.dma_semaphore, #tpu.memory_space<semaphore_mem>>) src(%arg7 : memref<32x8x128xf32, #tpu.memory_space<vmem>>) dst(%dma_wait3A_68 : memref<32x8x128xf32, #tpu.memory_space<hbm>>)
    %parallel_loop3A_69 = arith.constant 0 : i32
    %parallel_loop3A_70 = arith.constant 256 : i32
    %parallel_loop3A_71 = arith.constant 1 : i32
    scf.for %parallel_loop3A_125 = %parallel_loop3A_69 to %parallel_loop3A_70 step %parallel_loop3A_71  : i32 {
      %parallel_loop3A_126 = arith.constant 8 : i32
      %parallel_loop3A_127 = arith.divsi %parallel_loop3A_125, %parallel_loop3A_126 : i32
      %parallel_loop3A_128 = arith.constant 0 : i32
      %parallel_loop3A_129 = arith.cmpi sgt, %parallel_loop3A_125, %parallel_loop3A_128 : i32
      %parallel_loop3A_130 = arith.extui %parallel_loop3A_129 : i1 to i32
      %parallel_loop3A_131 = arith.constant 0 : i32
      %parallel_loop3A_132 = arith.cmpi slt, %parallel_loop3A_125, %parallel_loop3A_131 : i32
      %parallel_loop3A_133 = arith.extui %parallel_loop3A_132 : i1 to i32
      %parallel_loop3A_134 = arith.subi %parallel_loop3A_130, %parallel_loop3A_133 : i32
      %parallel_loop3A_135 = arith.constant 0 : i32
      %parallel_loop3A_136 = arith.cmpi sgt, %parallel_loop3A_126, %parallel_loop3A_135 : i32
      %parallel_loop3A_137 = arith.extui %parallel_loop3A_136 : i1 to i32
      %parallel_loop3A_138 = arith.constant 0 : i32
      %parallel_loop3A_139 = arith.cmpi slt, %parallel_loop3A_126, %parallel_loop3A_138 : i32
      %parallel_loop3A_140 = arith.extui %parallel_loop3A_139 : i1 to i32
      %parallel_loop3A_141 = arith.subi %parallel_loop3A_137, %parallel_loop3A_140 : i32
      %parallel_loop3A_142 = arith.cmpi ne, %parallel_loop3A_134, %parallel_loop3A_141 : i32
      %parallel_loop3A_143 = arith.remsi %parallel_loop3A_125, %parallel_loop3A_126 : i32
      %parallel_loop3A_144 = arith.constant 0 : i32
      %parallel_loop3A_145 = arith.cmpi ne, %parallel_loop3A_143, %parallel_loop3A_144 : i32
      %parallel_loop3A_146 = arith.andi %parallel_loop3A_142, %parallel_loop3A_145 : i1
      %parallel_loop3A_147 = arith.constant 1 : i32
      %parallel_loop3A_148 = arith.subi %parallel_loop3A_127, %parallel_loop3A_147 : i32
      %parallel_loop3A_149 = arith.select %parallel_loop3A_146, %parallel_loop3A_148, %parallel_loop3A_127 : i32
      %parallel_loop3A_150 = arith.constant 8 : i32
      %parallel_loop3A_151 = arith.constant 0 : i32
      %parallel_loop3A_152 = arith.cmpi eq, %parallel_loop3A_150, %parallel_loop3A_151 : i32
      %parallel_loop3A_153 = arith.constant 1 : i32
      %parallel_loop3A_154 = arith.select %parallel_loop3A_152, %parallel_loop3A_153, %parallel_loop3A_150 : i32
      %parallel_loop3A_155 = arith.remsi %parallel_loop3A_125, %parallel_loop3A_154 : i32
      %parallel_loop3A_156 = arith.constant 0 : i32
      %parallel_loop3A_157 = arith.cmpi ne, %parallel_loop3A_155, %parallel_loop3A_156 : i32
      %parallel_loop3A_158 = arith.constant 0 : i32
      %parallel_loop3A_159 = arith.cmpi slt, %parallel_loop3A_155, %parallel_loop3A_158 : i32
      %parallel_loop3A_160 = arith.constant 0 : i32
      %parallel_loop3A_161 = arith.cmpi slt, %parallel_loop3A_154, %parallel_loop3A_160 : i32
      %parallel_loop3A_162 = arith.xori %parallel_loop3A_159, %parallel_loop3A_161 : i1
      %parallel_loop3A_163 = arith.andi %parallel_loop3A_162, %parallel_loop3A_157 : i1
      %parallel_loop3A_164 = arith.addi %parallel_loop3A_155, %parallel_loop3A_154 : i32
      %parallel_loop3A_165 = arith.select %parallel_loop3A_163, %parallel_loop3A_164, %parallel_loop3A_155 : i32
      %parallel_loop3A_166 = arith.constant 16 : i32
      %parallel_loop3A_167 = arith.muli %parallel_loop3A_165, %parallel_loop3A_166 : i32
      %parallel_loop3A_168 = tpu.assume_multiple %parallel_loop3A_167, 16 : i32
      %parallel_loop3A_169 = arith.constant 64 : i32
      %parallel_loop3A_170 = arith.addi %parallel_loop3A_169, %parallel_loop3A_149 : i32
      %parallel_loop3A_171 = arith.constant 0 : i32
      %parallel_loop3A_172 = arith.constant 0 : i32
      %parallel_loop3A_173 = tpu.memref_slice %arg6[%parallel_loop3A_170, %parallel_loop3A_171, %parallel_loop3A_172] : memref<128x1x128xi32, #tpu.memory_space<vmem>> -> memref<1x1x128xi32, #tpu.memory_space<vmem>>
      %parallel_loop3A_174 = tpu.memref_squeeze %parallel_loop3A_173 : memref<1x1x128xi32, #tpu.memory_space<vmem>> -> memref<128xi32, #tpu.memory_space<vmem>>
      %parallel_loop3A_175 = arith.index_cast %parallel_loop3A_168 : i32 to index
      %parallel_loop3A_176 = tpu.vector_load %parallel_loop3A_174[%parallel_loop3A_175] {strides = array<i32>} : memref<128xi32, #tpu.memory_space<vmem>>, vector<16xi32>,
      %parallel_loop3A_177 = arith.constant 64 : i32
      %parallel_loop3A_178 = vector.broadcast %parallel_loop3A_177 : i32 to vector<16xi32>
      %parallel_loop3A_179 = arith.muli %parallel_loop3A_176, %parallel_loop3A_178 : vector<16xi32>
      %parallel_loop3A_180 = arith.constant 0 : i32
      %parallel_loop3A_181 = arith.addi %add3A_35, %parallel_loop3A_180 : i32
      %parallel_loop3A_182 = vector.broadcast %parallel_loop3A_181 : i32 to vector<16xi32>
      %parallel_loop3A_183 = arith.addi %parallel_loop3A_179, %parallel_loop3A_182 : vector<16xi32>
      %parallel_loop3A_184 = tpu.vector_load_idx %arg5[%parallel_loop3A_183] : memref<16384xf32, #tpu.memory_space<vmem>>[vector<16xi32>], vector<16xf32>,
      %parallel_loop3A_185 = arith.constant 1 : i32
      %parallel_loop3A_186 = arith.addi %add3A_35, %parallel_loop3A_185 : i32
      %parallel_loop3A_187 = vector.broadcast %parallel_loop3A_186 : i32 to vector<16xi32>
      %parallel_loop3A_188 = arith.addi %parallel_loop3A_179, %parallel_loop3A_187 : vector<16xi32>
      %parallel_loop3A_189 = tpu.vector_load_idx %arg5[%parallel_loop3A_188] : memref<16384xf32, #tpu.memory_space<vmem>>[vector<16xi32>], vector<16xf32>,
      %parallel_loop3A_190 = arith.constant 2 : i32
      %parallel_loop3A_191 = arith.addi %add3A_35, %parallel_loop3A_190 : i32
      %parallel_loop3A_192 = vector.broadcast %parallel_loop3A_191 : i32 to vector<16xi32>
      %parallel_loop3A_193 = arith.addi %parallel_loop3A_179, %parallel_loop3A_192 : vector<16xi32>
      %parallel_loop3A_194 = tpu.vector_load_idx %arg5[%parallel_loop3A_193] : memref<16384xf32, #tpu.memory_space<vmem>>[vector<16xi32>], vector<16xf32>,
      %parallel_loop3A_195 = arith.constant 3 : i32
      %parallel_loop3A_196 = arith.addi %add3A_35, %parallel_loop3A_195 : i32
      %parallel_loop3A_197 = vector.broadcast %parallel_loop3A_196 : i32 to vector<16xi32>
      %parallel_loop3A_198 = arith.addi %parallel_loop3A_179, %parallel_loop3A_197 : vector<16xi32>
      %parallel_loop3A_199 = tpu.vector_load_idx %arg5[%parallel_loop3A_198] : memref<16384xf32, #tpu.memory_space<vmem>>[vector<16xi32>], vector<16xf32>,
      %parallel_loop3A_200 = arith.constant 4 : i32
      %parallel_loop3A_201 = arith.addi %add3A_35, %parallel_loop3A_200 : i32
      %parallel_loop3A_202 = vector.broadcast %parallel_loop3A_201 : i32 to vector<16xi32>
      %parallel_loop3A_203 = arith.addi %parallel_loop3A_179, %parallel_loop3A_202 : vector<16xi32>
      %parallel_loop3A_204 = tpu.vector_load_idx %arg5[%parallel_loop3A_203] : memref<16384xf32, #tpu.memory_space<vmem>>[vector<16xi32>], vector<16xf32>,
      %parallel_loop3A_205 = arith.constant 5 : i32
      %parallel_loop3A_206 = arith.addi %add3A_35, %parallel_loop3A_205 : i32
      %parallel_loop3A_207 = vector.broadcast %parallel_loop3A_206 : i32 to vector<16xi32>
      %parallel_loop3A_208 = arith.addi %parallel_loop3A_179, %parallel_loop3A_207 : vector<16xi32>
      %parallel_loop3A_209 = tpu.vector_load_idx %arg5[%parallel_loop3A_208] : memref<16384xf32, #tpu.memory_space<vmem>>[vector<16xi32>], vector<16xf32>,
      %parallel_loop3A_210 = arith.constant 6 : i32
      %parallel_loop3A_211 = arith.addi %add3A_35, %parallel_loop3A_210 : i32
      %parallel_loop3A_212 = vector.broadcast %parallel_loop3A_211 : i32 to vector<16xi32>
      %parallel_loop3A_213 = arith.addi %parallel_loop3A_179, %parallel_loop3A_212 : vector<16xi32>
      %parallel_loop3A_214 = tpu.vector_load_idx %arg5[%parallel_loop3A_213] : memref<16384xf32, #tpu.memory_space<vmem>>[vector<16xi32>], vector<16xf32>,
      %parallel_loop3A_215 = arith.constant 7 : i32
      %parallel_loop3A_216 = arith.addi %add3A_35, %parallel_loop3A_215 : i32
      %parallel_loop3A_217 = vector.broadcast %parallel_loop3A_216 : i32 to vector<16xi32>
      %parallel_loop3A_218 = arith.addi %parallel_loop3A_179, %parallel_loop3A_217 : vector<16xi32>
      %parallel_loop3A_219 = tpu.vector_load_idx %arg5[%parallel_loop3A_218] : memref<16384xf32, #tpu.memory_space<vmem>>[vector<16xi32>], vector<16xf32>,
      %parallel_loop3A_220 = arith.constant 0 : i32
      %parallel_loop3A_221 = arith.constant 0 : i32
      %parallel_loop3A_222 = tpu.memref_slice %arg7[%parallel_loop3A_149, %parallel_loop3A_220, %parallel_loop3A_221] : memref<32x8x128xf32, #tpu.memory_space<vmem>> -> memref<1x1x128xf32, #tpu.memory_space<vmem>>
      %parallel_loop3A_223 = tpu.memref_squeeze %parallel_loop3A_222 : memref<1x1x128xf32, #tpu.memory_space<vmem>> -> memref<128xf32, #tpu.memory_space<vmem>>
      %parallel_loop3A_224 = arith.index_cast %parallel_loop3A_168 : i32 to index
      %parallel_loop3A_225 = tpu.vector_load %parallel_loop3A_223[%parallel_loop3A_224] {strides = array<i32>} : memref<128xf32, #tpu.memory_space<vmem>>, vector<16xf32>,
      tpu.vector_store %parallel_loop3A_223[%parallel_loop3A_224], %parallel_loop3A_184 {strides = array<i32>} : memref<128xf32, #tpu.memory_space<vmem>>, vector<16xf32>,
      %parallel_loop3A_226 = arith.constant 1 : i32
      %parallel_loop3A_227 = arith.constant 0 : i32
      %parallel_loop3A_228 = tpu.memref_slice %arg7[%parallel_loop3A_149, %parallel_loop3A_226, %parallel_loop3A_227] : memref<32x8x128xf32, #tpu.memory_space<vmem>> -> memref<1x1x128xf32, #tpu.memory_space<vmem>>
      %parallel_loop3A_229 = tpu.memref_squeeze %parallel_loop3A_228 : memref<1x1x128xf32, #tpu.memory_space<vmem>> -> memref<128xf32, #tpu.memory_space<vmem>>
      %parallel_loop3A_230 = arith.index_cast %parallel_loop3A_168 : i32 to index
      %parallel_loop3A_231 = tpu.vector_load %parallel_loop3A_229[%parallel_loop3A_230] {strides = array<i32>} : memref<128xf32, #tpu.memory_space<vmem>>, vector<16xf32>,
      tpu.vector_store %parallel_loop3A_229[%parallel_loop3A_230], %parallel_loop3A_189 {strides = array<i32>} : memref<128xf32, #tpu.memory_space<vmem>>, vector<16xf32>,
      %parallel_loop3A_232 = arith.constant 2 : i32
      %parallel_loop3A_233 = arith.constant 0 : i32
      %parallel_loop3A_234 = tpu.memref_slice %arg7[%parallel_loop3A_149, %parallel_loop3A_232, %parallel_loop3A_233] : memref<32x8x128xf32, #tpu.memory_space<vmem>> -> memref<1x1x128xf32, #tpu.memory_space<vmem>>
      %parallel_loop3A_235 = tpu.memref_squeeze %parallel_loop3A_234 : memref<1x1x128xf32, #tpu.memory_space<vmem>> -> memref<128xf32, #tpu.memory_space<vmem>>
      %parallel_loop3A_236 = arith.index_cast %parallel_loop3A_168 : i32 to index
      %parallel_loop3A_237 = tpu.vector_load %parallel_loop3A_235[%parallel_loop3A_236] {strides = array<i32>} : memref<128xf32, #tpu.memory_space<vmem>>, vector<16xf32>,
      tpu.vector_store %parallel_loop3A_235[%parallel_loop3A_236], %parallel_loop3A_194 {strides = array<i32>} : memref<128xf32, #tpu.memory_space<vmem>>, vector<16xf32>,
      %parallel_loop3A_238 = arith.constant 3 : i32
      %parallel_loop3A_239 = arith.constant 0 : i32
      %parallel_loop3A_240 = tpu.memref_slice %arg7[%parallel_loop3A_149, %parallel_loop3A_238, %parallel_loop3A_239] : memref<32x8x128xf32, #tpu.memory_space<vmem>> -> memref<1x1x128xf32, #tpu.memory_space<vmem>>
      %parallel_loop3A_241 = tpu.memref_squeeze %parallel_loop3A_240 : memref<1x1x128xf32, #tpu.memory_space<vmem>> -> memref<128xf32, #tpu.memory_space<vmem>>
      %parallel_loop3A_242 = arith.index_cast %parallel_loop3A_168 : i32 to index
      %parallel_loop3A_243 = tpu.vector_load %parallel_loop3A_241[%parallel_loop3A_242] {strides = array<i32>} : memref<128xf32, #tpu.memory_space<vmem>>, vector<16xf32>,
      tpu.vector_store %parallel_loop3A_241[%parallel_loop3A_242], %parallel_loop3A_199 {strides = array<i32>} : memref<128xf32, #tpu.memory_space<vmem>>, vector<16xf32>,
      %parallel_loop3A_244 = arith.constant 4 : i32
      %parallel_loop3A_245 = arith.constant 0 : i32
      %parallel_loop3A_246 = tpu.memref_slice %arg7[%parallel_loop3A_149, %parallel_loop3A_244, %parallel_loop3A_245] : memref<32x8x128xf32, #tpu.memory_space<vmem>> -> memref<1x1x128xf32, #tpu.memory_space<vmem>>
      %parallel_loop3A_247 = tpu.memref_squeeze %parallel_loop3A_246 : memref<1x1x128xf32, #tpu.memory_space<vmem>> -> memref<128xf32, #tpu.memory_space<vmem>>
      %parallel_loop3A_248 = arith.index_cast %parallel_loop3A_168 : i32 to index
      %parallel_loop3A_249 = tpu.vector_load %parallel_loop3A_247[%parallel_loop3A_248] {strides = array<i32>} : memref<128xf32, #tpu.memory_space<vmem>>, vector<16xf32>,
      tpu.vector_store %parallel_loop3A_247[%parallel_loop3A_248], %parallel_loop3A_204 {strides = array<i32>} : memref<128xf32, #tpu.memory_space<vmem>>, vector<16xf32>,
      %parallel_loop3A_250 = arith.constant 5 : i32
      %parallel_loop3A_251 = arith.constant 0 : i32
      %parallel_loop3A_252 = tpu.memref_slice %arg7[%parallel_loop3A_149, %parallel_loop3A_250, %parallel_loop3A_251] : memref<32x8x128xf32, #tpu.memory_space<vmem>> -> memref<1x1x128xf32, #tpu.memory_space<vmem>>
      %parallel_loop3A_253 = tpu.memref_squeeze %parallel_loop3A_252 : memref<1x1x128xf32, #tpu.memory_space<vmem>> -> memref<128xf32, #tpu.memory_space<vmem>>
      %parallel_loop3A_254 = arith.index_cast %parallel_loop3A_168 : i32 to index
      %parallel_loop3A_255 = tpu.vector_load %parallel_loop3A_253[%parallel_loop3A_254] {strides = array<i32>} : memref<128xf32, #tpu.memory_space<vmem>>, vector<16xf32>,
      tpu.vector_store %parallel_loop3A_253[%parallel_loop3A_254], %parallel_loop3A_209 {strides = array<i32>} : memref<128xf32, #tpu.memory_space<vmem>>, vector<16xf32>,
      %parallel_loop3A_256 = arith.constant 6 : i32
      %parallel_loop3A_257 = arith.constant 0 : i32
      %parallel_loop3A_258 = tpu.memref_slice %arg7[%parallel_loop3A_149, %parallel_loop3A_256, %parallel_loop3A_257] : memref<32x8x128xf32, #tpu.memory_space<vmem>> -> memref<1x1x128xf32, #tpu.memory_space<vmem>>
      %parallel_loop3A_259 = tpu.memref_squeeze %parallel_loop3A_258 : memref<1x1x128xf32, #tpu.memory_space<vmem>> -> memref<128xf32, #tpu.memory_space<vmem>>
      %parallel_loop3A_260 = arith.index_cast %parallel_loop3A_168 : i32 to index
      %parallel_loop3A_261 = tpu.vector_load %parallel_loop3A_259[%parallel_loop3A_260] {strides = array<i32>} : memref<128xf32, #tpu.memory_space<vmem>>, vector<16xf32>,
      tpu.vector_store %parallel_loop3A_259[%parallel_loop3A_260], %parallel_loop3A_214 {strides = array<i32>} : memref<128xf32, #tpu.memory_space<vmem>>, vector<16xf32>,
      %parallel_loop3A_262 = arith.constant 7 : i32
      %parallel_loop3A_263 = arith.constant 0 : i32
      %parallel_loop3A_264 = tpu.memref_slice %arg7[%parallel_loop3A_149, %parallel_loop3A_262, %parallel_loop3A_263] : memref<32x8x128xf32, #tpu.memory_space<vmem>> -> memref<1x1x128xf32, #tpu.memory_space<vmem>>
      %parallel_loop3A_265 = tpu.memref_squeeze %parallel_loop3A_264 : memref<1x1x128xf32, #tpu.memory_space<vmem>> -> memref<128xf32, #tpu.memory_space<vmem>>
      %parallel_loop3A_266 = arith.index_cast %parallel_loop3A_168 : i32 to index
      %parallel_loop3A_267 = tpu.vector_load %parallel_loop3A_265[%parallel_loop3A_266] {strides = array<i32>} : memref<128xf32, #tpu.memory_space<vmem>>, vector<16xf32>,
      tpu.vector_store %parallel_loop3A_265[%parallel_loop3A_266], %parallel_loop3A_219 {strides = array<i32>} : memref<128xf32, #tpu.memory_space<vmem>>, vector<16xf32>,
    } {sc.loop_unroll_factor = 8 : i64, sc.parallel_access}
    %dma_start3A_72 = arith.constant 64 : i32
    %dma_start3A_73 = arith.constant 0 : i32
    %dma_start3A_74 = arith.constant 0 : i32
    %dma_start3A_75 = tpu.memref_slice %arg4[%add3A, %dma_start3A_72, %dma_start3A_73, %dma_start3A_74] : memref<32x128x8x128xf32, #tpu.memory_space<hbm>> -> memref<1x32x8x128xf32, #tpu.memory_space<hbm>>
    %dma_start3A_76 = tpu.memref_squeeze %dma_start3A_75 : memref<1x32x8x128xf32, #tpu.memory_space<hbm>> -> memref<32x8x128xf32, #tpu.memory_space<hbm>>
    %dma_start3A_77 = arith.constant 64 : i32
    %dma_start3A_78 = arith.constant 0 : i32
    %dma_start3A_79 = arith.constant 0 : i32
    %dma_start3A_80 = tpu.memref_slice %arg4[%add3A, %dma_start3A_77, %dma_start3A_78, %dma_start3A_79] : memref<32x128x8x128xf32, #tpu.memory_space<hbm>> -> memref<1x32x8x128xf32, #tpu.memory_space<hbm>>
    %dma_start3A_81 = tpu.memref_squeeze %dma_start3A_80 : memref<1x32x8x128xf32, #tpu.memory_space<hbm>> -> memref<32x8x128xf32, #tpu.memory_space<hbm>>
    tpu.enqueue_dma source(%arg7 : memref<32x8x128xf32, #tpu.memory_space<vmem>>) target(%dma_start3A_81 : memref<32x8x128xf32, #tpu.memory_space<hbm>>) target_semaphore(%arg9 : memref<!tpu.dma_semaphore, #tpu.memory_space<semaphore_mem>>)
    %dma_wait3A_82 = arith.constant 32 : i32
    %dma_wait3A_83 = arith.constant 0 : i32
    %dma_wait3A_84 = arith.constant 0 : i32
    %dma_wait3A_85 = tpu.memref_slice %arg4[%add3A, %dma_wait3A_82, %dma_wait3A_83, %dma_wait3A_84] : memref<32x128x8x128xf32, #tpu.memory_space<hbm>> -> memref<1x32x8x128xf32, #tpu.memory_space<hbm>>
    %dma_wait3A_86 = tpu.memref_squeeze %dma_wait3A_85 : memref<1x32x8x128xf32, #tpu.memory_space<hbm>> -> memref<32x8x128xf32, #tpu.memory_space<hbm>>
    %dma_wait3A_87 = arith.constant 32 : i32
    %dma_wait3A_88 = arith.constant 0 : i32
    %dma_wait3A_89 = arith.constant 0 : i32
    %dma_wait3A_90 = tpu.memref_slice %arg4[%add3A, %dma_wait3A_87, %dma_wait3A_88, %dma_wait3A_89] : memref<32x128x8x128xf32, #tpu.memory_space<hbm>> -> memref<1x32x8x128xf32, #tpu.memory_space<hbm>>
    %dma_wait3A_91 = tpu.memref_squeeze %dma_wait3A_90 : memref<1x32x8x128xf32, #tpu.memory_space<hbm>> -> memref<32x8x128xf32, #tpu.memory_space<hbm>>
    tpu.wait_dma2 semaphore(%arg10 : memref<!tpu.dma_semaphore, #tpu.memory_space<semaphore_mem>>) src(%arg8 : memref<32x8x128xf32, #tpu.memory_space<vmem>>) dst(%dma_wait3A_91 : memref<32x8x128xf32, #tpu.memory_space<hbm>>)
    %parallel_loop3A_92 = arith.constant 0 : i32
    %parallel_loop3A_93 = arith.constant 256 : i32
    %parallel_loop3A_94 = arith.constant 1 : i32
    scf.for %parallel_loop3A_125 = %parallel_loop3A_92 to %parallel_loop3A_93 step %parallel_loop3A_94  : i32 {
      %parallel_loop3A_126 = arith.constant 8 : i32
      %parallel_loop3A_127 = arith.divsi %parallel_loop3A_125, %parallel_loop3A_126 : i32
      %parallel_loop3A_128 = arith.constant 0 : i32
      %parallel_loop3A_129 = arith.cmpi sgt, %parallel_loop3A_125, %parallel_loop3A_128 : i32
      %parallel_loop3A_130 = arith.extui %parallel_loop3A_129 : i1 to i32
      %parallel_loop3A_131 = arith.constant 0 : i32
      %parallel_loop3A_132 = arith.cmpi slt, %parallel_loop3A_125, %parallel_loop3A_131 : i32
      %parallel_loop3A_133 = arith.extui %parallel_loop3A_132 : i1 to i32
      %parallel_loop3A_134 = arith.subi %parallel_loop3A_130, %parallel_loop3A_133 : i32
      %parallel_loop3A_135 = arith.constant 0 : i32
      %parallel_loop3A_136 = arith.cmpi sgt, %parallel_loop3A_126, %parallel_loop3A_135 : i32
      %parallel_loop3A_137 = arith.extui %parallel_loop3A_136 : i1 to i32
      %parallel_loop3A_138 = arith.constant 0 : i32
      %parallel_loop3A_139 = arith.cmpi slt, %parallel_loop3A_126, %parallel_loop3A_138 : i32
      %parallel_loop3A_140 = arith.extui %parallel_loop3A_139 : i1 to i32
      %parallel_loop3A_141 = arith.subi %parallel_loop3A_137, %parallel_loop3A_140 : i32
      %parallel_loop3A_142 = arith.cmpi ne, %parallel_loop3A_134, %parallel_loop3A_141 : i32
      %parallel_loop3A_143 = arith.remsi %parallel_loop3A_125, %parallel_loop3A_126 : i32
      %parallel_loop3A_144 = arith.constant 0 : i32
      %parallel_loop3A_145 = arith.cmpi ne, %parallel_loop3A_143, %parallel_loop3A_144 : i32
      %parallel_loop3A_146 = arith.andi %parallel_loop3A_142, %parallel_loop3A_145 : i1
      %parallel_loop3A_147 = arith.constant 1 : i32
      %parallel_loop3A_148 = arith.subi %parallel_loop3A_127, %parallel_loop3A_147 : i32
      %parallel_loop3A_149 = arith.select %parallel_loop3A_146, %parallel_loop3A_148, %parallel_loop3A_127 : i32
      %parallel_loop3A_150 = arith.constant 8 : i32
      %parallel_loop3A_151 = arith.constant 0 : i32
      %parallel_loop3A_152 = arith.cmpi eq, %parallel_loop3A_150, %parallel_loop3A_151 : i32
      %parallel_loop3A_153 = arith.constant 1 : i32
      %parallel_loop3A_154 = arith.select %parallel_loop3A_152, %parallel_loop3A_153, %parallel_loop3A_150 : i32
      %parallel_loop3A_155 = arith.remsi %parallel_loop3A_125, %parallel_loop3A_154 : i32
      %parallel_loop3A_156 = arith.constant 0 : i32
      %parallel_loop3A_157 = arith.cmpi ne, %parallel_loop3A_155, %parallel_loop3A_156 : i32
      %parallel_loop3A_158 = arith.constant 0 : i32
      %parallel_loop3A_159 = arith.cmpi slt, %parallel_loop3A_155, %parallel_loop3A_158 : i32
      %parallel_loop3A_160 = arith.constant 0 : i32
      %parallel_loop3A_161 = arith.cmpi slt, %parallel_loop3A_154, %parallel_loop3A_160 : i32
      %parallel_loop3A_162 = arith.xori %parallel_loop3A_159, %parallel_loop3A_161 : i1
      %parallel_loop3A_163 = arith.andi %parallel_loop3A_162, %parallel_loop3A_157 : i1
      %parallel_loop3A_164 = arith.addi %parallel_loop3A_155, %parallel_loop3A_154 : i32
      %parallel_loop3A_165 = arith.select %parallel_loop3A_163, %parallel_loop3A_164, %parallel_loop3A_155 : i32
      %parallel_loop3A_166 = arith.constant 16 : i32
      %parallel_loop3A_167 = arith.muli %parallel_loop3A_165, %parallel_loop3A_166 : i32
      %parallel_loop3A_168 = tpu.assume_multiple %parallel_loop3A_167, 16 : i32
      %parallel_loop3A_169 = arith.constant 96 : i32
      %parallel_loop3A_170 = arith.addi %parallel_loop3A_169, %parallel_loop3A_149 : i32
      %parallel_loop3A_171 = arith.constant 0 : i32
      %parallel_loop3A_172 = arith.constant 0 : i32
      %parallel_loop3A_173 = tpu.memref_slice %arg6[%parallel_loop3A_170, %parallel_loop3A_171, %parallel_loop3A_172] : memref<128x1x128xi32, #tpu.memory_space<vmem>> -> memref<1x1x128xi32, #tpu.memory_space<vmem>>
      %parallel_loop3A_174 = tpu.memref_squeeze %parallel_loop3A_173 : memref<1x1x128xi32, #tpu.memory_space<vmem>> -> memref<128xi32, #tpu.memory_space<vmem>>
      %parallel_loop3A_175 = arith.index_cast %parallel_loop3A_168 : i32 to index
      %parallel_loop3A_176 = tpu.vector_load %parallel_loop3A_174[%parallel_loop3A_175] {strides = array<i32>} : memref<128xi32, #tpu.memory_space<vmem>>, vector<16xi32>,
      %parallel_loop3A_177 = arith.constant 64 : i32
      %parallel_loop3A_178 = vector.broadcast %parallel_loop3A_177 : i32 to vector<16xi32>
      %parallel_loop3A_179 = arith.muli %parallel_loop3A_176, %parallel_loop3A_178 : vector<16xi32>
      %parallel_loop3A_180 = arith.constant 0 : i32
      %parallel_loop3A_181 = arith.addi %add3A_35, %parallel_loop3A_180 : i32
      %parallel_loop3A_182 = vector.broadcast %parallel_loop3A_181 : i32 to vector<16xi32>
      %parallel_loop3A_183 = arith.addi %parallel_loop3A_179, %parallel_loop3A_182 : vector<16xi32>
      %parallel_loop3A_184 = tpu.vector_load_idx %arg5[%parallel_loop3A_183] : memref<16384xf32, #tpu.memory_space<vmem>>[vector<16xi32>], vector<16xf32>,
      %parallel_loop3A_185 = arith.constant 1 : i32
      %parallel_loop3A_186 = arith.addi %add3A_35, %parallel_loop3A_185 : i32
      %parallel_loop3A_187 = vector.broadcast %parallel_loop3A_186 : i32 to vector<16xi32>
      %parallel_loop3A_188 = arith.addi %parallel_loop3A_179, %parallel_loop3A_187 : vector<16xi32>
      %parallel_loop3A_189 = tpu.vector_load_idx %arg5[%parallel_loop3A_188] : memref<16384xf32, #tpu.memory_space<vmem>>[vector<16xi32>], vector<16xf32>,
      %parallel_loop3A_190 = arith.constant 2 : i32
      %parallel_loop3A_191 = arith.addi %add3A_35, %parallel_loop3A_190 : i32
      %parallel_loop3A_192 = vector.broadcast %parallel_loop3A_191 : i32 to vector<16xi32>
      %parallel_loop3A_193 = arith.addi %parallel_loop3A_179, %parallel_loop3A_192 : vector<16xi32>
      %parallel_loop3A_194 = tpu.vector_load_idx %arg5[%parallel_loop3A_193] : memref<16384xf32, #tpu.memory_space<vmem>>[vector<16xi32>], vector<16xf32>,
      %parallel_loop3A_195 = arith.constant 3 : i32
      %parallel_loop3A_196 = arith.addi %add3A_35, %parallel_loop3A_195 : i32
      %parallel_loop3A_197 = vector.broadcast %parallel_loop3A_196 : i32 to vector<16xi32>
      %parallel_loop3A_198 = arith.addi %parallel_loop3A_179, %parallel_loop3A_197 : vector<16xi32>
      %parallel_loop3A_199 = tpu.vector_load_idx %arg5[%parallel_loop3A_198] : memref<16384xf32, #tpu.memory_space<vmem>>[vector<16xi32>], vector<16xf32>,
      %parallel_loop3A_200 = arith.constant 4 : i32
      %parallel_loop3A_201 = arith.addi %add3A_35, %parallel_loop3A_200 : i32
      %parallel_loop3A_202 = vector.broadcast %parallel_loop3A_201 : i32 to vector<16xi32>
      %parallel_loop3A_203 = arith.addi %parallel_loop3A_179, %parallel_loop3A_202 : vector<16xi32>
      %parallel_loop3A_204 = tpu.vector_load_idx %arg5[%parallel_loop3A_203] : memref<16384xf32, #tpu.memory_space<vmem>>[vector<16xi32>], vector<16xf32>,
      %parallel_loop3A_205 = arith.constant 5 : i32
      %parallel_loop3A_206 = arith.addi %add3A_35, %parallel_loop3A_205 : i32
      %parallel_loop3A_207 = vector.broadcast %parallel_loop3A_206 : i32 to vector<16xi32>
      %parallel_loop3A_208 = arith.addi %parallel_loop3A_179, %parallel_loop3A_207 : vector<16xi32>
      %parallel_loop3A_209 = tpu.vector_load_idx %arg5[%parallel_loop3A_208] : memref<16384xf32, #tpu.memory_space<vmem>>[vector<16xi32>], vector<16xf32>,
      %parallel_loop3A_210 = arith.constant 6 : i32
      %parallel_loop3A_211 = arith.addi %add3A_35, %parallel_loop3A_210 : i32
      %parallel_loop3A_212 = vector.broadcast %parallel_loop3A_211 : i32 to vector<16xi32>
      %parallel_loop3A_213 = arith.addi %parallel_loop3A_179, %parallel_loop3A_212 : vector<16xi32>
      %parallel_loop3A_214 = tpu.vector_load_idx %arg5[%parallel_loop3A_213] : memref<16384xf32, #tpu.memory_space<vmem>>[vector<16xi32>], vector<16xf32>,
      %parallel_loop3A_215 = arith.constant 7 : i32
      %parallel_loop3A_216 = arith.addi %add3A_35, %parallel_loop3A_215 : i32
      %parallel_loop3A_217 = vector.broadcast %parallel_loop3A_216 : i32 to vector<16xi32>
      %parallel_loop3A_218 = arith.addi %parallel_loop3A_179, %parallel_loop3A_217 : vector<16xi32>
      %parallel_loop3A_219 = tpu.vector_load_idx %arg5[%parallel_loop3A_218] : memref<16384xf32, #tpu.memory_space<vmem>>[vector<16xi32>], vector<16xf32>,
      %parallel_loop3A_220 = arith.constant 0 : i32
      %parallel_loop3A_221 = arith.constant 0 : i32
      %parallel_loop3A_222 = tpu.memref_slice %arg8[%parallel_loop3A_149, %parallel_loop3A_220, %parallel_loop3A_221] : memref<32x8x128xf32, #tpu.memory_space<vmem>> -> memref<1x1x128xf32, #tpu.memory_space<vmem>>
      %parallel_loop3A_223 = tpu.memref_squeeze %parallel_loop3A_222 : memref<1x1x128xf32, #tpu.memory_space<vmem>> -> memref<128xf32, #tpu.memory_space<vmem>>
      %parallel_loop3A_224 = arith.index_cast %parallel_loop3A_168 : i32 to index
      %parallel_loop3A_225 = tpu.vector_load %parallel_loop3A_223[%parallel_loop3A_224] {strides = array<i32>} : memref<128xf32, #tpu.memory_space<vmem>>, vector<16xf32>,
      tpu.vector_store %parallel_loop3A_223[%parallel_loop3A_224], %parallel_loop3A_184 {strides = array<i32>} : memref<128xf32, #tpu.memory_space<vmem>>, vector<16xf32>,
      %parallel_loop3A_226 = arith.constant 1 : i32
      %parallel_loop3A_227 = arith.constant 0 : i32
      %parallel_loop3A_228 = tpu.memref_slice %arg8[%parallel_loop3A_149, %parallel_loop3A_226, %parallel_loop3A_227] : memref<32x8x128xf32, #tpu.memory_space<vmem>> -> memref<1x1x128xf32, #tpu.memory_space<vmem>>
      %parallel_loop3A_229 = tpu.memref_squeeze %parallel_loop3A_228 : memref<1x1x128xf32, #tpu.memory_space<vmem>> -> memref<128xf32, #tpu.memory_space<vmem>>
      %parallel_loop3A_230 = arith.index_cast %parallel_loop3A_168 : i32 to index
      %parallel_loop3A_231 = tpu.vector_load %parallel_loop3A_229[%parallel_loop3A_230] {strides = array<i32>} : memref<128xf32, #tpu.memory_space<vmem>>, vector<16xf32>,
      tpu.vector_store %parallel_loop3A_229[%parallel_loop3A_230], %parallel_loop3A_189 {strides = array<i32>} : memref<128xf32, #tpu.memory_space<vmem>>, vector<16xf32>,
      %parallel_loop3A_232 = arith.constant 2 : i32
      %parallel_loop3A_233 = arith.constant 0 : i32
      %parallel_loop3A_234 = tpu.memref_slice %arg8[%parallel_loop3A_149, %parallel_loop3A_232, %parallel_loop3A_233] : memref<32x8x128xf32, #tpu.memory_space<vmem>> -> memref<1x1x128xf32, #tpu.memory_space<vmem>>
      %parallel_loop3A_235 = tpu.memref_squeeze %parallel_loop3A_234 : memref<1x1x128xf32, #tpu.memory_space<vmem>> -> memref<128xf32, #tpu.memory_space<vmem>>
      %parallel_loop3A_236 = arith.index_cast %parallel_loop3A_168 : i32 to index
      %parallel_loop3A_237 = tpu.vector_load %parallel_loop3A_235[%parallel_loop3A_236] {strides = array<i32>} : memref<128xf32, #tpu.memory_space<vmem>>, vector<16xf32>,
      tpu.vector_store %parallel_loop3A_235[%parallel_loop3A_236], %parallel_loop3A_194 {strides = array<i32>} : memref<128xf32, #tpu.memory_space<vmem>>, vector<16xf32>,
      %parallel_loop3A_238 = arith.constant 3 : i32
      %parallel_loop3A_239 = arith.constant 0 : i32
      %parallel_loop3A_240 = tpu.memref_slice %arg8[%parallel_loop3A_149, %parallel_loop3A_238, %parallel_loop3A_239] : memref<32x8x128xf32, #tpu.memory_space<vmem>> -> memref<1x1x128xf32, #tpu.memory_space<vmem>>
      %parallel_loop3A_241 = tpu.memref_squeeze %parallel_loop3A_240 : memref<1x1x128xf32, #tpu.memory_space<vmem>> -> memref<128xf32, #tpu.memory_space<vmem>>
      %parallel_loop3A_242 = arith.index_cast %parallel_loop3A_168 : i32 to index
      %parallel_loop3A_243 = tpu.vector_load %parallel_loop3A_241[%parallel_loop3A_242] {strides = array<i32>} : memref<128xf32, #tpu.memory_space<vmem>>, vector<16xf32>,
      tpu.vector_store %parallel_loop3A_241[%parallel_loop3A_242], %parallel_loop3A_199 {strides = array<i32>} : memref<128xf32, #tpu.memory_space<vmem>>, vector<16xf32>,
      %parallel_loop3A_244 = arith.constant 4 : i32
      %parallel_loop3A_245 = arith.constant 0 : i32
      %parallel_loop3A_246 = tpu.memref_slice %arg8[%parallel_loop3A_149, %parallel_loop3A_244, %parallel_loop3A_245] : memref<32x8x128xf32, #tpu.memory_space<vmem>> -> memref<1x1x128xf32, #tpu.memory_space<vmem>>
      %parallel_loop3A_247 = tpu.memref_squeeze %parallel_loop3A_246 : memref<1x1x128xf32, #tpu.memory_space<vmem>> -> memref<128xf32, #tpu.memory_space<vmem>>
      %parallel_loop3A_248 = arith.index_cast %parallel_loop3A_168 : i32 to index
      %parallel_loop3A_249 = tpu.vector_load %parallel_loop3A_247[%parallel_loop3A_248] {strides = array<i32>} : memref<128xf32, #tpu.memory_space<vmem>>, vector<16xf32>,
      tpu.vector_store %parallel_loop3A_247[%parallel_loop3A_248], %parallel_loop3A_204 {strides = array<i32>} : memref<128xf32, #tpu.memory_space<vmem>>, vector<16xf32>,
      %parallel_loop3A_250 = arith.constant 5 : i32
      %parallel_loop3A_251 = arith.constant 0 : i32
      %parallel_loop3A_252 = tpu.memref_slice %arg8[%parallel_loop3A_149, %parallel_loop3A_250, %parallel_loop3A_251] : memref<32x8x128xf32, #tpu.memory_space<vmem>> -> memref<1x1x128xf32, #tpu.memory_space<vmem>>
      %parallel_loop3A_253 = tpu.memref_squeeze %parallel_loop3A_252 : memref<1x1x128xf32, #tpu.memory_space<vmem>> -> memref<128xf32, #tpu.memory_space<vmem>>
      %parallel_loop3A_254 = arith.index_cast %parallel_loop3A_168 : i32 to index
      %parallel_loop3A_255 = tpu.vector_load %parallel_loop3A_253[%parallel_loop3A_254] {strides = array<i32>} : memref<128xf32, #tpu.memory_space<vmem>>, vector<16xf32>,
      tpu.vector_store %parallel_loop3A_253[%parallel_loop3A_254], %parallel_loop3A_209 {strides = array<i32>} : memref<128xf32, #tpu.memory_space<vmem>>, vector<16xf32>,
      %parallel_loop3A_256 = arith.constant 6 : i32
      %parallel_loop3A_257 = arith.constant 0 : i32
      %parallel_loop3A_258 = tpu.memref_slice %arg8[%parallel_loop3A_149, %parallel_loop3A_256, %parallel_loop3A_257] : memref<32x8x128xf32, #tpu.memory_space<vmem>> -> memref<1x1x128xf32, #tpu.memory_space<vmem>>
      %parallel_loop3A_259 = tpu.memref_squeeze %parallel_loop3A_258 : memref<1x1x128xf32, #tpu.memory_space<vmem>> -> memref<128xf32, #tpu.memory_space<vmem>>
      %parallel_loop3A_260 = arith.index_cast %parallel_loop3A_168 : i32 to index
      %parallel_loop3A_261 = tpu.vector_load %parallel_loop3A_259[%parallel_loop3A_260] {strides = array<i32>} : memref<128xf32, #tpu.memory_space<vmem>>, vector<16xf32>,
      tpu.vector_store %parallel_loop3A_259[%parallel_loop3A_260], %parallel_loop3A_214 {strides = array<i32>} : memref<128xf32, #tpu.memory_space<vmem>>, vector<16xf32>,
      %parallel_loop3A_262 = arith.constant 7 : i32
      %parallel_loop3A_263 = arith.constant 0 : i32
      %parallel_loop3A_264 = tpu.memref_slice %arg8[%parallel_loop3A_149, %parallel_loop3A_262, %parallel_loop3A_263] : memref<32x8x128xf32, #tpu.memory_space<vmem>> -> memref<1x1x128xf32, #tpu.memory_space<vmem>>
      %parallel_loop3A_265 = tpu.memref_squeeze %parallel_loop3A_264 : memref<1x1x128xf32, #tpu.memory_space<vmem>> -> memref<128xf32, #tpu.memory_space<vmem>>
      %parallel_loop3A_266 = arith.index_cast %parallel_loop3A_168 : i32 to index
      %parallel_loop3A_267 = tpu.vector_load %parallel_loop3A_265[%parallel_loop3A_266] {strides = array<i32>} : memref<128xf32, #tpu.memory_space<vmem>>, vector<16xf32>,
      tpu.vector_store %parallel_loop3A_265[%parallel_loop3A_266], %parallel_loop3A_219 {strides = array<i32>} : memref<128xf32, #tpu.memory_space<vmem>>, vector<16xf32>,
    } {sc.loop_unroll_factor = 8 : i64, sc.parallel_access}
    %dma_start3A_95 = arith.constant 96 : i32
    %dma_start3A_96 = arith.constant 0 : i32
    %dma_start3A_97 = arith.constant 0 : i32
    %dma_start3A_98 = tpu.memref_slice %arg4[%add3A, %dma_start3A_95, %dma_start3A_96, %dma_start3A_97] : memref<32x128x8x128xf32, #tpu.memory_space<hbm>> -> memref<1x32x8x128xf32, #tpu.memory_space<hbm>>
    %dma_start3A_99 = tpu.memref_squeeze %dma_start3A_98 : memref<1x32x8x128xf32, #tpu.memory_space<hbm>> -> memref<32x8x128xf32, #tpu.memory_space<hbm>>
    %dma_start3A_100 = arith.constant 96 : i32
    %dma_start3A_101 = arith.constant 0 : i32
    %dma_start3A_102 = arith.constant 0 : i32
    %dma_start3A_103 = tpu.memref_slice %arg4[%add3A, %dma_start3A_100, %dma_start3A_101, %dma_start3A_102] : memref<32x128x8x128xf32, #tpu.memory_space<hbm>> -> memref<1x32x8x128xf32, #tpu.memory_space<hbm>>
    %dma_start3A_104 = tpu.memref_squeeze %dma_start3A_103 : memref<1x32x8x128xf32, #tpu.memory_space<hbm>> -> memref<32x8x128xf32, #tpu.memory_space<hbm>>
    tpu.enqueue_dma source(%arg8 : memref<32x8x128xf32, #tpu.memory_space<vmem>>) target(%dma_start3A_104 : memref<32x8x128xf32, #tpu.memory_space<hbm>>) target_semaphore(%arg10 : memref<!tpu.dma_semaphore, #tpu.memory_space<semaphore_mem>>)
    %dma_wait3A_105 = arith.constant 64 : i32
    %dma_wait3A_106 = arith.constant 0 : i32
    %dma_wait3A_107 = arith.constant 0 : i32
    %dma_wait3A_108 = tpu.memref_slice %arg4[%add3A, %dma_wait3A_105, %dma_wait3A_106, %dma_wait3A_107] : memref<32x128x8x128xf32, #tpu.memory_space<hbm>> -> memref<1x32x8x128xf32, #tpu.memory_space<hbm>>
    %dma_wait3A_109 = tpu.memref_squeeze %dma_wait3A_108 : memref<1x32x8x128xf32, #tpu.memory_space<hbm>> -> memref<32x8x128xf32, #tpu.memory_space<hbm>>
    %dma_wait3A_110 = arith.constant 64 : i32
    %dma_wait3A_111 = arith.constant 0 : i32
    %dma_wait3A_112 = arith.constant 0 : i32
    %dma_wait3A_113 = tpu.memref_slice %arg4[%add3A, %dma_wait3A_110, %dma_wait3A_111, %dma_wait3A_112] : memref<32x128x8x128xf32, #tpu.memory_space<hbm>> -> memref<1x32x8x128xf32, #tpu.memory_space<hbm>>
    %dma_wait3A_114 = tpu.memref_squeeze %dma_wait3A_113 : memref<1x32x8x128xf32, #tpu.memory_space<hbm>> -> memref<32x8x128xf32, #tpu.memory_space<hbm>>
    tpu.wait_dma2 semaphore(%arg9 : memref<!tpu.dma_semaphore, #tpu.memory_space<semaphore_mem>>) src(%arg7 : memref<32x8x128xf32, #tpu.memory_space<vmem>>) dst(%dma_wait3A_114 : memref<32x8x128xf32, #tpu.memory_space<hbm>>)
    %dma_wait3A_115 = arith.constant 96 : i32
    %dma_wait3A_116 = arith.constant 0 : i32
    %dma_wait3A_117 = arith.constant 0 : i32
    %dma_wait3A_118 = tpu.memref_slice %arg4[%add3A, %dma_wait3A_115, %dma_wait3A_116, %dma_wait3A_117] : memref<32x128x8x128xf32, #tpu.memory_space<hbm>> -> memref<1x32x8x128xf32, #tpu.memory_space<hbm>>
    %dma_wait3A_119 = tpu.memref_squeeze %dma_wait3A_118 : memref<1x32x8x128xf32, #tpu.memory_space<hbm>> -> memref<32x8x128xf32, #tpu.memory_space<hbm>>
    %dma_wait3A_120 = arith.constant 96 : i32
    %dma_wait3A_121 = arith.constant 0 : i32
    %dma_wait3A_122 = arith.constant 0 : i32
    %dma_wait3A_123 = tpu.memref_slice %arg4[%add3A, %dma_wait3A_120, %dma_wait3A_121, %dma_wait3A_122] : memref<32x128x8x128xf32, #tpu.memory_space<hbm>> -> memref<1x32x8x128xf32, #tpu.memory_space<hbm>>
    %dma_wait3A_124 = tpu.memref_squeeze %dma_wait3A_123 : memref<1x32x8x128xf32, #tpu.memory_space<hbm>> -> memref<32x8x128xf32, #tpu.memory_space<hbm>>
    tpu.wait_dma2 semaphore(%arg10 : memref<!tpu.dma_semaphore, #tpu.memory_space<semaphore_mem>>) src(%arg8 : memref<32x8x128xf32, #tpu.memory_space<vmem>>) dst(%dma_wait3A_124 : memref<32x8x128xf32, #tpu.memory_space<hbm>>)
    return
  }
}

</mosaic_0001>

<sc_bundles>
// kernel: kernel.3.cloned.1.call-start
scs
__scs_entry_jumppad:
0x0: {  	(pc) =	sbr.rel $0x88, $3  }
0x1: {  	(tag) =	ssettag $0x0;
	lr =	simm.s32 $0x1  }
0x2: {  	[smem:$0x3F9F] =	sst lr;
	_ =	strace $0xD0000000  }
0x3: {  	_ = 	snop  }
0x4: {  	_ = 	snop  }
0x5: {  	_ = 	snop  }
0x6: {  	_ = 	snop  }
0x7: {  	_ = 	snop  }
__scs_overlays_trampoline_lowered:
0x8: {  	[smem:$0x3FAE] =	sst s0  }
0x9: {  	[smem:$0x3FAF] =	sst s1  }
0xa: {  	[smem:$0x3FB0] =	sst s2  }
0xb: {  	[smem:$0x3FB1] =	sst s3  }
0xc: {  	[smem:$0x3FB2] =	sst s4  }
0xd: {  	[smem:$0x3FB3] =	sst s5  }
0xe: {  	[smem:$0x3FB4] =	sst s6  }
0xf: {  	[smem:$0x3FB5] =	sst s7  }
0x10: {  	[smem:$0x3FB6] =	sst s8  }
0x11: {  	[smem:$0x3FB7] =	sst s9;
	s0 =	simm.s32 @!p0 $0x0  }
0x12: {  	s1 =	sld [smem:$0x3F9D];
	s0 =	simm.s32 @p0 $0x1  }
0x13: {  	[smem:$0x3FB8] =	sst s0;
	s0 =	simm.s32 @!p1 $0x0  }
0x14: {  	s2 =	sld [smem:$0x3F9C];
	s0 =	simm.s32 @p1 $0x1  }
0x15: {  	[smem:$0x3FB9] =	sst s0;
	s0 =	simm.s32 @!p2 $0x0  }
0x16: {  	s3 =	sld [smem:$0x3FDB];
	s0 =	simm.s32 @p2 $0x1  }
0x17: {  	s4 =	simm.s32 $0x1BF5;
	[smem:$0x3FBB] =	sst s0  }
0x18: {  	s0 =	sld [smem:$0x3F9E];
	_ =	swait.ge [sflag:s4], $0x0  }
0x19: {  	s7 =	sld [smem:$0x3F9F]  }
0x1a: {  	s8 =	sadd.s32 $0xFFFFE003, lr  }
0x1b: {  	s9 =	sadd.s32 $0xFFFFFEF7, lr;
	s5 =	simm.s32 $0xFFFFFFFF;
	p2 =	slt.u32 s8, $0xFFFFF086  }
0x1c: {  	p1 =	slt.u32 s9, $0xF7A;
	s5 =	simm.s32 @!p2 $0x0  }
0x1d: {  	s5 =	simm.s32 @p1 $0x1;
	p0 =	seq.s32 s7, s2  }
0x1e: {  	s7 =	smul.u32 @!p0 $0xF7A, s2;
	p2 =	seq.s32 @!p0 s5, $0x0  }
0x1f: {  	s9 =	smul.u32 $0xF7A, s1;
	s8 =	simm.s32 @!p0 $0x1BF5;
	p2 =	por !p2, p0  }
0x20: {  	[sflag:s8] =	ssyncset.s32 @!p0 $0xFFFFF086;
	s6 =	sadd.s32 @!p0 s3, s7;
	s7 =	simm.s32 @!p0 $0x108  }
0x21: {  	s3 =	sadd.s32 s3, s9;
	s6 =	sadd.s32 @!p0 $0x88, s6;
	s7 =	simm.s32 @p2 $0x1082  }
0x22: {  	[simem:s7], [sflag:s8] =	dma.local @!p0 [hbm:s6], $0xF7A  }
0x23: {  	s9 =	sor.u32 $0xD0000000, s2;
	s6 =	simm.s32 $0x108;
	_ =	swait.ge @!p0 [sflag:s8], $0x0  }
0x24: {  	s3 =	sadd.s32 $0x88, s3;
	s6 =	simm.s32 @!p1 $0x1082;
	[sflag:s4] =	ssyncset.s32 $0xFFFFF086  }
0x25: {  	[simem:s6], [sflag:s4] =	dma.local [hbm:s3], $0xF7A  }
0x26: {  	[smem:$0x3F9F] =	sst s1;
	(tag) =	ssettag s2;
	_ =	strace s9  }
0x27: {  	s1 =	sld [smem:$0x3FAF]  }
0x28: {  	s2 =	sld [smem:$0x3FB0]  }
0x29: {  	s4 =	sld [smem:$0x3FB2]  }
0x2a: {  	p0 =	seq.s32 s5, $0x0;
	s5 =	sld [smem:$0x3FB3]  }
0x2b: {  	s6 =	sld [smem:$0x3FB4]  }
0x2c: {  	s7 =	sld [smem:$0x3FB5]  }
0x2d: {  	s3 =	simm.s32 $0x108;
	s8 =	sld [smem:$0x3FB6]  }
0x2e: {  	s3 =	simm.s32 @!p0 $0x1082;
	s9 =	sld [smem:$0x3FB7]  }
0x2f: {  	lr =	sadd.s32 s0, s3;
	s0 =	sld [smem:$0x3FAE]  }
0x30: {  	s3 =	sld [smem:$0x3FB1]  }
0x31: {  	[smem:$0x3FBA] =	sst s10  }
0x32: {  	s10 =	sld [smem:$0x3FB8];
	_ =	sdelay $0x3  }
0x33: {  	p0 =	seq.s32 s10, $0x1;
	s10 =	sld [smem:$0x3FBA];
	_ =	sdelay $0x3  }
0x34: {  	[smem:$0x3FBA] =	sst s10  }
0x35: {  	s10 =	sld [smem:$0x3FB9];
	_ =	sdelay $0x3  }
0x36: {  	p1 =	seq.s32 s10, $0x1;
	s10 =	sld [smem:$0x3FBA];
	_ =	sdelay $0x3  }
0x37: {  	[smem:$0x3FBA] =	sst s10  }
0x38: {  	s10 =	sld [smem:$0x3FBB]  }
0x39: {  	_ = 	snop;
	(pc) =	sbr.ind lr, $3  }
0x3a: {  	_ = 	snop  }
0x3b: {  	_ = 	snop  }
0x3c: {  	p2 =	seq.s32 s10, $0x1;
	s10 =	sld [smem:$0x3FBA]  }
0x3d: {  	_ =	shalt  }
0x3e: {  	_ =	shalt  }
0x3f: {  	_ =	shalt  }
0x40: {  	_ =	shalt  }
0x41: {  	_ =	shalt  }
0x42: {  	_ =	shalt  }
0x43: {  	_ =	shalt  }
0x44: {  	_ =	shalt  }
0x45: {  	_ =	shalt  }
0x46: {  	_ =	shalt  }
0x47: {  	_ =	shalt  }
0x48: {  	_ =	shalt  }
0x49: {  	_ =	shalt  }
0x4a: {  	_ =	shalt  }
0x4b: {  	_ =	shalt  }
0x4c: {  	_ =	shalt  }
0x4d: {  	_ =	shalt  }
0x4e: {  	_ =	shalt  }
0x4f: {  	_ =	shalt  }
0x50: {  	_ =	shalt  }
0x51: {  	_ =	shalt  }
0x52: {  	_ =	shalt  }
0x53: {  	_ =	shalt  }
0x54: {  	_ =	shalt  }
0x55: {  	_ =	shalt  }
0x56: {  	_ =	shalt  }
0x57: {  	_ =	shalt  }
0x58: {  	_ =	shalt  }
0x59: {  	_ =	shalt  }
0x5a: {  	_ =	shalt  }
0x5b: {  	_ =	shalt  }
0x5c: {  	_ =	shalt  }
0x5d: {  	_ =	shalt  }
0x5e: {  	_ =	shalt  }
0x5f: {  	_ =	shalt  }
0x60: {  	_ =	shalt  }
0x61: {  	_ =	shalt  }
0x62: {  	_ =	shalt  }
0x63: {  	_ =	shalt  }
0x64: {  	_ =	shalt  }
0x65: {  	_ =	shalt  }
0x66: {  	_ =	shalt  }
0x67: {  	_ =	shalt  }
0x68: {  	_ =	shalt  }
0x69: {  	_ =	shalt  }
0x6a: {  	_ =	shalt  }
0x6b: {  	_ =	shalt  }
0x6c: {  	_ =	shalt  }
0x6d: {  	_ =	shalt  }
0x6e: {  	_ =	shalt  }
0x6f: {  	_ =	shalt  }
0x70: {  	_ =	shalt  }
0x71: {  	_ =	shalt  }
0x72: {  	_ =	shalt  }
0x73: {  	_ =	shalt  }
0x74: {  	_ =	shalt  }
0x75: {  	_ =	shalt  }
0x76: {  	_ =	shalt  }
0x77: {  	_ =	shalt  }
0x78: {  	_ =	shalt  }
0x79: {  	_ =	shalt  }
0x7a: {  	_ =	shalt  }
0x7b: {  	_ =	shalt  }
0x7c: {  	_ =	shalt  }
0x7d: {  	_ =	shalt  }
0x7e: {  	_ =	shalt  }
0x7f: {  	_ =	shalt  }
0x80: {  	_ =	shalt  }
0x81: {  	_ =	shalt  }
0x82: {  	_ =	shalt  }
0x83: {  	_ =	shalt  }
0x84: {  	_ =	shalt  }
0x85: {  	_ =	shalt  }
0x86: {  	_ =	shalt  }
0x87: {  	_ =	shalt  }
.Lfunc_end0:
.L_simem_size_0:
called_computation_lowered:
.L_overlay_start_0:
0x88: {  	s2 =	sld [smem:$0x3FD9]  }
0x89: {  	s3 =	sld [smem:$0x3FFE];
	_ =	sdelay $0x1  }
0x8a: {  	s1 =	srdreg.scid  }
0x8b: {  	s0 =	sand.u32 $0x1, s1  }
0x8c: {  	s17 =	sshll.u32 s0, $0xA;
	s2 =	sadd.s32 s3, s2  }
0x8d: {  	s2 =	sadd.s32 s2, s17  }
0x8e: {  	[smem:$0x3FC6] =	sst s2  }
0x8f: {  	_ = 	snop  }
0x90: {  	s2 =	sld [smem:$0x3FC9]  }
0x91: {  	s18 =	sld [smem:$0x3FD0];
	(tm) =	ssettm $0x1  }
0x92: {  	s4 =	sld [smem:$0x3FFB];
	_ =	sdelay $0x3  }
0x93: {  	_ =	strace s4  }
0x94: {  	s4 =	sld [smem:$0x3FFC];
	_ =	sdelay $0x3  }
0x95: {  	_ =	strace s4  }
0x96: {  	s4 =	sld [smem:$0x3FFD];
	_ =	sdelay $0x3  }
0x97: {  	_ =	strace s4  }
0x98: {  	_ =	strace $0x8FFFFFFF  }
0x99: {  	s19 =	sld [smem:$0x3FDB];
	_ =	sdelay $0x1  }
0x9a: {  	s5 =	simm.s32 $_scs_section_size  }
0x9b: {  	s6 =	simm.s32 $_size__tile_overlayer_lowered;
	s7 =	simm.s32 $_tile_overlayer_lowered  }
0x9c: {  	s22 =	simm.s32 $0x1BFF;
	s21 =	sshll.u32 s7, $0x1;
	s4 =	sadd.s32 s5, s19  }
0x9d: {  	s8 =	simm.s32 $0x0;
	s20 =	sshll.u32 s6, $0x1;
	s6 =	sadd.s32 s21, s4  }
0x9e: {  	[timem:s8], [sflag:s22] =	dma.local [hbm:s6], s20  }
0x9f: {  	_ =	swait.ge [sflag:s22], s20  }
0xa0: {  	s5 =	ssub.s32 $0x0, s20;
	[sflag:s22] =	ssyncset.done $0x0  }
0xa1: {  	[sflag:s22] =	ssyncadd.s32 s5;
	_ =	sdelay $0x1  }
0xa2: {  	s23 =	simm.s32 $0x1B8B  }
0xa3: {  	_ =	swait.ge [sflag:s23], $0x1  }
0xa4: {  	[sflag:s23] =	ssyncset.done $0x0  }
0xa5: {  	s25 =	simm.s32 $0x1B8E;
	s24 =	sld [smem:$0x3FFE];
	[sflag:s23] =	ssyncadd.s32 $0xFFFFFFFF  }
0xa6: {  	s26 =	simm.s32 $execute0_lowered;
	[smem:$0x3FD2] =	sst s25  }
0xa7: {  	s6 =	sshll.u32 s26, $0x1;
	_ =	strace $0x80000046;
	[dreg:$0x1] =	wrdreg $0xFFFFFFFF  }
0xa8: {  	s28 =	simm.s32 $_size_execute0_lowered;
	s4 =	sadd.s32 s4, s6;
	[dreg:$0x0] =	wrdreg $0x0  }
0xa9: {  	s6 =	sshll.u32 s28, $0x1;
	[dreg:$0x2] =	wrdreg s4  }
0xaa: {  	[dreg:$0x3] =	wrdreg s6  }
0xab: {  	[dreg:$0x4] =	wrdreg $0xC0  }
0xac: {  	_ =	task [dreg:s8], $0x5FFFF  }
0xad: {  	[dreg:$0x1] =	wrdreg $0xFFFFFFFF  }
0xae: {  	[dreg:$0x0] =	wrdreg $0x60  }
0xaf: {  	[dreg:$0x2] =	wrdreg s24  }
0xb0: {  	[dreg:$0x3] =	wrdreg s2  }
0xb1: {  	[dreg:$0x4] =	wrdreg s18  }
0xb2: {  	[dreg:$0x5] =	wrdreg $0x9  }
0xb3: {  	_ =	task.clear_ibuf [dreg:s8], $0x6FFFF;
	_ =	strace $0x90000046  }
0xb4: {  	s29 =	simm.s32 $0x9;
	_ =	strace $0x80000048  }
0xb5: {  	_ =	swait.ge [sflag:s29], $0x1  }
0xb6: {  	[sflag:s29] =	ssyncadd.s32 $0xFFFFFFFF  }
0xb7: {  	_ =	strace $0x90000048  }
0xb8: {  	_ =	sfence  }
0xb9: {  	s30 =	sld [smem:$0x0];
	_ =	sdelay $0x2  }
0xba: {  	s31 =	sshll.u32 s1, $0xD;
	s1 =	sshrl.u32 s1, $0x2  }
0xbb: {  	s3 =	sand.u32 $0x4000, s31;
	s1 =	sadd.s32 s1, s30  }
0xbc: {  	s0 =	sor.u32 s3, s0;
	s1 =	sshll.u32 s1, $0x11  }
0xbd: {  	s0 =	sor.u32 s1, s0  }
0xbe: {  	s0 =	sadd.s32 $0x8F2B, s0  }
0xbf: {  	[sflag:s0] =	ssyncadd.remote.s32 $0x1  }
0xc0: {  	_ =	sfence.sel $0xFFFF  }
0xc1: {  	[dreg:$0x0] =	wrdreg $0xFFFFFFFF;
	(pc) =	sbr.abs _section_cstart, $3  }
0xc2: {  	[dreg:$0x1] =	wrdreg $0xFFFFFFFF  }
0xc3: {  	_ =	task.clear_ibuf [dreg:s8], $0x2FFFF;
	_ =	strace $0x9FFFFFFF  }
0xc4: {  	(tm) =	ssettm $0x7FFFFFFF  }
0xc5: {  	_ =	shalt  }
tec
execute0_lowered:
.L_overlay_start_1:
0x0: {  	(tag) =	ssettag $0x1  }
0x1: {  	s3 =	rddreg [dreg:$0x0]  }
0x2: {  	s4 =	rddreg [dreg:$0x1]  }
0x3: {  	s5 =	rddreg [dreg:$0x2]  }
0x4: {  	s0 =	rddreg [dreg:$0x3];
	s2 =	simm.s32 $0x0;
	s6 =	srdreg.scid  }
0x5: {  	s1 =	stileid.u32;
	s12 =	simm.s32 $0x200;
	[smem:$0x7FF] =	sst s2  }
0x6: {  	s6 =	sand.u32 $0x1, s6;
	s7 =	sshll.u32 s1, $0x1;
	s3 =	sadd.s32 $0x400, s3  }
0x7: {  	s8 =	sshrl.u32 s1, $0x2;
	_ =	strace $0x80000047;
	s7 =	sor.u32 s6, s7  }
0x8: {  	s6 =	ssub.s32 $0x2, s6;
	s10 =	sshll.u32 s8, $0xC;
	s8 =	sshll.u32 s8, $0x4  }
0x9: {  	s9 =	sshll.u32 s7, $0x3;
	s11 =	sshrl.u32 s6, $0x1;
	s4 =	sadd.s32 s4, s8  }
0xa: {  	s31 =	sshll.u32 s7, $0xE;
	s9 =	sand.u32 $0x38, s9;
	s29 =	ssub.s32 s6, s11  }
0xb: {  	s5 =	sadd.s32 s5, s31;
	s11 =	simm.s32 $0x80;
	s10 =	sor.u32 s10, s9  }
0xc: {  	s6 =	sadd.s32 $0x1000, s5;
	s7 =	sadd.s32 $0x2000, s5;
	s8 =	sadd.s32 $0x3000, s5  }
0xd: {  	s9 =	smax.u32 s29, $0x1;
	s30 =	sor.u32 $0x1, s10;
	s13 =	sor.u32 $0x2, s10  }
0xe: {  	s14 =	sor.u32 $0x3, s10;
	s15 =	sor.u32 $0x4, s10;
	s16 =	sor.u32 $0x5, s10  }
0xf: {  	s17 =	sor.u32 $0x6, s10;
	s18 =	sor.u32 $0x7, s10;
	v0 =	vmov s10;
	s10 =	simm.s32 $0x3;
	v1 =	vmov s30  }
0x10: {  	v2 =	vmov s13;
	v3 =	vmov s14;
	v4 =	vmov s15;
	s13 =	simm.s32 $0x4000;
	s14 =	simm.s32 $0x8000;
	s15 =	simm.s32 $0x10000  }
0x11: {  	v5 =	vmov s16;
	v6 =	vmov s17;
	v7 =	vmov s18;
	s16 =	simm.s32 $0x1;
	s17 =	simm.s32 $0x2;
	s18 =	simm.s32 $0x0  }
.LBB2_1:
0x12: {  	[tilespmem:s2], [sflag:$0x3] =	stream.linear.gather [hbm4b:s3+s2], $0x4000, $0x38;
	[tilespmem:$0x18000] =	vst v63  }
0x13: {  	_ =	swait.ge [sflag:s10], $0x4000  }
0x14: {  	[sflag:s10] =	ssyncset.done $0x0  }
0x15: {  	[sflag:s10] =	ssyncadd.s32 $0xFFFFC000  }
0x16: {  	[tilespmem:s13], [sflag:$0x3] =	stream.strided.gather [hbm4b:s4+s11], $0x4000, s12, s11, $0x38;
	[tilespmem:$0x18000] =	vst v63  }
0x17: {  	_ =	swait.ge [sflag:s10], $0x4000  }
0x18: {  	[sflag:s10] =	ssyncset.done $0x0  }
0x19: {  	s19 =	simm.s32 $0x4040;
	[sflag:s10] =	ssyncadd.s32 $0xFFFFC000  }
0x1a: {  	v8 =	vld [tilespmem:s19+$0x30];
	_ =	sdelay $0x3  }
0x1b: {  	v16 =	vld [tilespmem:s19+$0xFFFFFFD0]  }
0x1c: {  	v17 =	vld [tilespmem:s19+$0xFFFFFFE0];
	v10 =	vshll.u32 v8, $0x6  }
0x1d: {  	v18 =	vld [tilespmem:s19+$0xFFFFFFF0];
	v8 =	vadd.s32 v0, v10  }
0x1e: {  	v19 =	vld [tilespmem:s19+$0x0];
	v9 =	vadd.s32 v7, v10  }
0x1f: {  	v11 =	vld [tilespmem:s19+$0xFFFFFFC0];
	v12 =	vadd.s32 v1, v10  }
0x20: {  	v20 =	vld [tilespmem:s19+$0x10];
	v13 =	vadd.s32 v2, v10  }
0x21: {  	v15 =	vld [tilespmem:s19+$0x20];
	v14 =	vadd.s32 v3, v10  }
0x22: {  	v21 =	vadd.s32 v4, v10;
	v8 =	vld.idx.msk [tilespmem:v8+s2+$0x0], $0xffff  }
0x23: {  	v22 =	vadd.s32 v5, v10;
	v23 =	vld.idx.msk [tilespmem:v9+s2+$0x0], $0xffff  }
0x24: {  	v24 =	vshll.u32 v11, $0x6;
	v25 =	vadd.s32 v6, v10;
	v9 =	vld.idx.msk [tilespmem:v12+s2+$0x0], $0xffff  }
0x25: {  	v26 =	vadd.s32 v0, v24;
	v10 =	vld.idx.msk [tilespmem:v13+s2+$0x0], $0xffff  }
0x26: {  	v27 =	vadd.s32 v1, v24;
	v11 =	vld.idx.msk [tilespmem:v14+s2+$0x0], $0xffff  }
0x27: {  	v28 =	vadd.s32 v2, v24;
	v12 =	vld.idx.msk [tilespmem:v21+s2+$0x0], $0xffff  }
0x28: {  	v63 =	vadd.s32 v5, v24;
	v13 =	vld.idx.msk [tilespmem:v22+s2+$0x0], $0xffff  }
0x29: {  	v29 =	vadd.s32 v6, v24;
	v14 =	vld.idx.msk [tilespmem:v25+s2+$0x0], $0xffff  }
0x2a: {  	v21 =	vadd.s32 v3, v24;
	v26 =	vld.idx.msk [tilespmem:v26+s2+$0x0], $0xffff  }
0x2b: {  	v22 =	vadd.s32 v4, v24;
	v27 =	vld.idx.msk [tilespmem:v27+s2+$0x0], $0xffff  }
0x2c: {  	v16 =	vshll.u32 v16, $0x6;
	v24 =	vadd.s32 v7, v24;
	v28 =	vld.idx.msk [tilespmem:v28+s2+$0x0], $0xffff  }
0x2d: {  	v30 =	vadd.s32 v0, v16;
	v25 =	vld.idx.msk [tilespmem:v63+s2+$0x0], $0xffff  }
0x2e: {  	v31 =	vadd.s32 v1, v16;
	v29 =	vld.idx.msk [tilespmem:v29+s2+$0x0], $0xffff  }
0x2f: {  	s19 =	simm.s32 $0x8200;
	v32 =	vadd.s32 v2, v16;
	v21 =	vld.idx.msk [tilespmem:v21+s2+$0x0], $0xffff  }
0x30: {  	v33 =	vadd.s32 v3, v16;
	v22 =	vld.idx.msk [tilespmem:v22+s2+$0x0], $0xffff;
	[tilespmem:s19+$0x1F0] =	vst v23  }
0x31: {  	v36 =	vadd.s32 v5, v16;
	v24 =	vld.idx.msk [tilespmem:v24+s2+$0x0], $0xffff;
	[tilespmem:s19+$0xFFFFFE00] =	vst v26  }
0x32: {  	v37 =	vadd.s32 v6, v16;
	v30 =	vld.idx.msk [tilespmem:v30+s2+$0x0], $0xffff;
	[tilespmem:s19+$0xFFFFFE80] =	vst v27  }
0x33: {  	v31 =	vld.idx.msk [tilespmem:v31+s2+$0x0], $0xffff;
	v23 =	vadd.s32 v4, v16;
	[tilespmem:s19+$0xFFFFFF00] =	vst v28  }
0x34: {  	v17 =	vshll.u32 v17, $0x6;
	v38 =	vld.idx.msk [tilespmem:v32+s2+$0x0], $0xffff;
	v16 =	vadd.s32 v7, v16;
	[tilespmem:s19+$0x80] =	vst v25  }
0x35: {  	v40 =	vadd.s32 v2, v17;
	v39 =	vld.idx.msk [tilespmem:v33+s2+$0x0], $0xffff;
	[tilespmem:s19+$0x100] =	vst v29  }
0x36: {  	v41 =	vadd.s32 v3, v17;
	v26 =	vld.idx.msk [tilespmem:v36+s2+$0x0], $0xffff;
	[tilespmem:s19+$0xFFFFFF80] =	vst v21  }
0x37: {  	v42 =	vadd.s32 v4, v17;
	v27 =	vld.idx.msk [tilespmem:v37+s2+$0x0], $0xffff;
	[tilespmem:s19+$0x0] =	vst v22  }
0x38: {  	v21 =	vadd.s32 v0, v17;
	v23 =	vld.idx.msk [tilespmem:v23+s2+$0x0], $0xffff;
	[tilespmem:s19+$0x180] =	vst v24  }
0x39: {  	v22 =	vadd.s32 v1, v17;
	v16 =	vld.idx.msk [tilespmem:v16+s2+$0x0], $0xffff;
	[tilespmem:s19+$0xFFFFFE10] =	vst v30  }
0x3a: {  	v43 =	vadd.s32 v5, v17;
	v25 =	vld.idx.msk [tilespmem:v40+s2+$0x0], $0xffff;
	[tilespmem:s19+$0xFFFFFE90] =	vst v31  }
0x3b: {  	v44 =	vadd.s32 v6, v17;
	v29 =	vld.idx.msk [tilespmem:v41+s2+$0x0], $0xffff;
	[tilespmem:s19+$0xFFFFFF10] =	vst v38  }
0x3c: {  	v18 =	vshll.u32 v18, $0x6;
	v17 =	vadd.s32 v7, v17;
	[tilespmem:s19+$0xFFFFFF90] =	vst v39;
	v24 =	vld.idx.msk [tilespmem:v42+s2+$0x0], $0xffff  }
0x3d: {  	v46 =	vadd.s32 v2, v18;
	[tilespmem:s19+$0x90] =	vst v26;
	v21 =	vld.idx.msk [tilespmem:v21+s2+$0x0], $0xffff  }
0x3e: {  	v45 =	vadd.s32 v0, v18;
	[tilespmem:s19+$0x110] =	vst v27;
	v22 =	vld.idx.msk [tilespmem:v22+s2+$0x0], $0xffff  }
0x3f: {  	v47 =	vadd.s32 v3, v18;
	v30 =	vld.idx.msk [tilespmem:v43+s2+$0x0], $0xffff;
	[tilespmem:s19+$0x10] =	vst v23  }
0x40: {  	v31 =	vld.idx.msk [tilespmem:v44+s2+$0x0], $0xffff;
	v23 =	vadd.s32 v1, v18;
	[tilespmem:s19+$0x190] =	vst v16  }
0x41: {  	v16 =	vadd.s32 v4, v18;
	v17 =	vld.idx.msk [tilespmem:v17+s2+$0x0], $0xffff;
	[tilespmem:s19+$0xFFFFFF20] =	vst v25  }
0x42: {  	v48 =	vld.idx.msk [tilespmem:v46+s2+$0x0], $0xffff;
	[tilespmem:s19+$0xFFFFFE20] =	vst v21;
	v21 =	vadd.s32 v5, v18  }
0x43: {  	v28 =	vld.idx.msk [tilespmem:v45+s2+$0x0], $0xffff;
	[tilespmem:s19+$0xFFFFFEA0] =	vst v22;
	v22 =	vadd.s32 v6, v18  }
0x44: {  	v19 =	vshll.u32 v19, $0x6;
	v27 =	vld.idx.msk [tilespmem:v47+s2+$0x0], $0xffff;
	[tilespmem:s19+$0xFFFFFFA0] =	vst v29;
	v18 =	vadd.s32 v7, v18  }
0x45: {  	v51 =	vadd.s32 v2, v19;
	[tilespmem:s19+$0x20] =	vst v24;
	v23 =	vld.idx.msk [tilespmem:v23+s2+$0x0], $0xffff  }
0x46: {  	v52 =	vadd.s32 v3, v19;
	[tilespmem:s19+$0xA0] =	vst v30;
	v16 =	vld.idx.msk [tilespmem:v16+s2+$0x0], $0xffff  }
0x47: {  	v49 =	vadd.s32 v0, v19;
	[tilespmem:s19+$0x120] =	vst v31;
	v21 =	vld.idx.msk [tilespmem:v21+s2+$0x0], $0xffff  }
0x48: {  	v50 =	vadd.s32 v1, v19;
	[tilespmem:s19+$0x1A0] =	vst v17;
	v22 =	vld.idx.msk [tilespmem:v22+s2+$0x0], $0xffff  }
0x49: {  	v17 =	vadd.s32 v4, v19;
	v18 =	vld.idx.msk [tilespmem:v18+s2+$0x0], $0xffff;
	[tilespmem:s19+$0xFFFFFE30] =	vst v28  }
0x4a: {  	v53 =	vadd.s32 v5, v19;
	v54 =	vld.idx.msk [tilespmem:v51+s2+$0x0], $0xffff;
	[tilespmem:s19+$0xFFFFFEB0] =	vst v23  }
0x4b: {  	v56 =	vld.idx.msk [tilespmem:v52+s2+$0x0], $0xffff;
	v23 =	vadd.s32 v6, v19;
	[tilespmem:s19+$0xFFFFFF30] =	vst v48  }
0x4c: {  	v20 =	vshll.u32 v20, $0x6;
	v26 =	vld.idx.msk [tilespmem:v49+s2+$0x0], $0xffff;
	v19 =	vadd.s32 v7, v19;
	[tilespmem:s19+$0xFFFFFFB0] =	vst v27  }
0x4d: {  	v55 =	vadd.s32 v0, v20;
	v24 =	vld.idx.msk [tilespmem:v50+s2+$0x0], $0xffff;
	[tilespmem:s19+$0x30] =	vst v16  }
0x4e: {  	v16 =	vadd.s32 v1, v20;
	v17 =	vld.idx.msk [tilespmem:v17+s2+$0x0], $0xffff;
	[tilespmem:s19+$0xB0] =	vst v21  }
0x4f: {  	v57 =	vadd.s32 v5, v20;
	v28 =	vld.idx.msk [tilespmem:v53+s2+$0x0], $0xffff;
	[tilespmem:s19+$0x130] =	vst v22  }
0x50: {  	v58 =	vadd.s32 v6, v20;
	v23 =	vld.idx.msk [tilespmem:v23+s2+$0x0], $0xffff;
	[tilespmem:s19+$0x1B0] =	vst v18  }
0x51: {  	v21 =	vadd.s32 v2, v20;
	v19 =	vld.idx.msk [tilespmem:v19+s2+$0x0], $0xffff;
	[tilespmem:s19+$0xFFFFFE40] =	vst v26  }
0x52: {  	v27 =	vld.idx.msk [tilespmem:v55+s2+$0x0], $0xffff;
	v22 =	vadd.s32 v3, v20;
	[tilespmem:s19+$0xFFFFFEC0] =	vst v24  }
0x53: {  	v18 =	vadd.s32 v4, v20;
	v16 =	vld.idx.msk [tilespmem:v16+s2+$0x0], $0xffff;
	[tilespmem:s19+$0xFFFFFF40] =	vst v54  }
0x54: {  	v15 =	vshll.u32 v15, $0x6;
	v20 =	vadd.s32 v7, v20;
	[tilespmem:s19+$0xFFFFFFC0] =	vst v56;
	v26 =	vld.idx.msk [tilespmem:v57+s2+$0x0], $0xffff  }
0x55: {  	v59 =	vadd.s32 v0, v15;
	[tilespmem:s19+$0x40] =	vst v17;
	v24 =	vld.idx.msk [tilespmem:v58+s2+$0x0], $0xffff  }
0x56: {  	v17 =	vadd.s32 v1, v15;
	[tilespmem:s19+$0xC0] =	vst v28;
	v21 =	vld.idx.msk [tilespmem:v21+s2+$0x0], $0xffff  }
0x57: {  	v62 =	vadd.s32 v5, v15;
	v22 =	vld.idx.msk [tilespmem:v22+s2+$0x0], $0xffff;
	[tilespmem:s19+$0x140] =	vst v23  }
0x58: {  	v60 =	vld.idx.msk [tilespmem:v18+s2+$0x0], $0xffff;
	v18 =	vadd.s32 v2, v15;
	[tilespmem:s19+$0x1C0] =	vst v19  }
0x59: {  	v23 =	vadd.s32 v3, v15;
	v61 =	vld.idx.msk [tilespmem:v20+s2+$0x0], $0xffff;
	[tilespmem:s19+$0xFFFFFE50] =	vst v27  }
0x5a: {  	v25 =	vld.idx.msk [tilespmem:v59+s2+$0x0], $0xffff;
	v19 =	vadd.s32 v4, v15;
	[tilespmem:s19+$0xFFFFFED0] =	vst v16  }
0x5b: {  	v16 =	vadd.s32 v6, v15;
	v63 =	vld.idx.msk [tilespmem:v17+s2+$0x0], $0xffff;
	[tilespmem:s19+$0xD0] =	vst v26  }
0x5c: {  	v17 =	vld.idx.msk [tilespmem:v62+s2+$0x0], $0xffff;
	[tilespmem:s19+$0xFFFFFF50] =	vst v21;
	v21 =	vadd.s32 v7, v15  }
0x5d: {  	[tilespmem:s19+$0x150] =	vst v24;
	v20 =	vld.idx.msk [tilespmem:v18+s2+$0x0], $0xffff  }
0x5e: {  	[tilespmem:s19+$0xFFFFFFD0] =	vst v22;
	v18 =	vld.idx.msk [tilespmem:v23+s2+$0x0], $0xffff  }
0x5f: {  	[tilespmem:s19+$0x50] =	vst v60;
	v19 =	vld.idx.msk [tilespmem:v19+s2+$0x0], $0xffff  }
0x60: {  	v15 =	vld.idx.msk [tilespmem:v16+s2+$0x0], $0xffff;
	[tilespmem:s19+$0x1D0] =	vst v61  }
0x61: {  	v16 =	vld.idx.msk [tilespmem:v21+s2+$0x0], $0xffff;
	[tilespmem:s19+$0xFFFFFE60] =	vst v25  }
0x62: {  	s20 =	simm.s32 $0x0;
	s21 =	simm.s32 $0x40C0;
	[tilespmem:s19+$0xFFFFFEE0] =	vst v63  }
.LBB2_2:
0x63: {  	v21 =	vld [tilespmem:s21+$0x30];
	_ =	sdelay $0x3  }
0x64: {  	[tilespmem:s19+$0xFFFFFF60] =	vst v20  }
0x65: {  	[tilespmem:s19+$0xFFFFFFE0] =	vst v18;
	v21 =	vshll.u32 v21, $0x6  }
0x66: {  	[tilespmem:s19+$0xFFFFFE70] =	vst v8;
	v22 =	vadd.s32 v0, v21  }
0x67: {  	[tilespmem:s19+$0xFFFFFEF0] =	vst v9  }
0x68: {  	v20 =	vld [tilespmem:s21+$0xFFFFFFD0];
	[tilespmem:s19+$0xFFFFFF70] =	vst v10  }
0x69: {  	[tilespmem:s19+$0xFFFFFFF0] =	vst v11  }
0x6a: {  	v23 =	vld [tilespmem:s21+$0xFFFFFFC0];
	[tilespmem:s19+$0x70] =	vst v12;
	v25 =	vadd.s32 v7, v21  }
0x6b: {  	[tilespmem:s19+$0x60] =	vst v19;
	v9 =	vadd.s32 v1, v21;
	v8 =	vld.idx.msk [tilespmem:v22+s2+$0x0], $0xffff  }
0x6c: {  	v18 =	vld [tilespmem:s21+$0xFFFFFFE0];
	[tilespmem:s19+$0xE0] =	vst v17  }
0x6d: {  	v19 =	vld [tilespmem:s21+$0xFFFFFFF0];
	[tilespmem:s19+$0x1E0] =	vst v16;
	v16 =	vshll.u32 v20, $0x6  }
0x6e: {  	v17 =	vld [tilespmem:s21+$0x0];
	v24 =	vadd.s32 v0, v16;
	[tilespmem:s19+$0xF0] =	vst v13  }
0x6f: {  	v26 =	vadd.s32 v1, v16;
	v25 =	vld.idx.msk [tilespmem:v25+s2+$0x0], $0xffff;
	[tilespmem:s19+$0x170] =	vst v14  }
0x70: {  	v10 =	vadd.s32 v2, v21;
	[tilespmem:$0x1FFA0] =	vst v8;
	v8 =	vld.idx.msk [tilespmem:v9+s2+$0x0], $0xffff  }
0x71: {  	[tilespmem:s19+$0x160] =	vst v15;
	v15 =	vld [tilespmem:s21+$0x10];
	v27 =	vadd.s32 v2, v16  }
0x72: {  	v20 =	vld [tilespmem:s21+$0x20];
	v28 =	vadd.s32 v3, v16  }
0x73: {  	v18 =	vshll.u32 v18, $0x6;
	v38 =	vadd.s32 v7, v16;
	v24 =	vld.idx.msk [tilespmem:v24+s2+$0x0], $0xffff  }
0x74: {  	v39 =	vadd.s32 v0, v18;
	v26 =	vld.idx.msk [tilespmem:v26+s2+$0x0], $0xffff  }
0x75: {  	v11 =	vadd.s32 v3, v21;
	v13 =	vshll.u32 v23, $0x6;
	[tilespmem:$0x1FFB0] =	vst v8;
	v8 =	vld.idx.msk [tilespmem:v10+s2+$0x0], $0xffff  }
0x76: {  	v30 =	vadd.s32 v0, v13;
	v27 =	vld.idx.msk [tilespmem:v27+s2+$0x0], $0xffff  }
0x77: {  	v12 =	vadd.s32 v4, v21;
	v31 =	vadd.s32 v1, v13;
	v28 =	vld.idx.msk [tilespmem:v28+s2+$0x0], $0xffff  }
0x78: {  	v23 =	vadd.s32 v5, v21;
	v14 =	vadd.s32 v6, v21;
	v21 =	vadd.s32 v2, v13;
	v38 =	vld.idx.msk [tilespmem:v38+s2+$0x0], $0xffff  }
0x79: {  	v32 =	vadd.s32 v3, v13;
	v39 =	vld.idx.msk [tilespmem:v39+s2+$0x0], $0xffff  }
0x7a: {  	v29 =	vadd.s32 v4, v16;
	[tilespmem:$0x1FFC0] =	vst v8;
	v8 =	vld.idx.msk [tilespmem:v11+s2+$0x0], $0xffff  }
0x7b: {  	v37 =	vadd.s32 v6, v16;
	v22 =	vadd.s32 v5, v16;
	v33 =	vadd.s32 v4, v13;
	v16 =	vld.idx.msk [tilespmem:v30+s2+$0x0], $0xffff  }
0x7c: {  	v34 =	vadd.s32 v5, v13;
	v31 =	vld.idx.msk [tilespmem:v31+s2+$0x0], $0xffff  }
0x7d: {  	v35 =	vadd.s32 v6, v13;
	v21 =	vld.idx.msk [tilespmem:v21+s2+$0x0], $0xffff  }
0x7e: {  	v19 =	vshll.u32 v19, $0x6;
	v36 =	vadd.s32 v7, v13;
	v32 =	vld.idx.msk [tilespmem:v32+s2+$0x0], $0xffff  }
0x7f: {  	v17 =	vshll.u32 v17, $0x6;
	v40 =	vadd.s32 v1, v18;
	v41 =	vadd.s32 v2, v18;
	[tilespmem:$0x1FFD0] =	vst v8;
	v8 =	vld.idx.msk [tilespmem:v12+s2+$0x0], $0xffff  }
0x80: {  	v42 =	vadd.s32 v3, v18;
	v43 =	vadd.s32 v5, v18;
	v44 =	vadd.s32 v0, v19;
	v33 =	vld.idx.msk [tilespmem:v33+s2+$0x0], $0xffff  }
0x81: {  	v45 =	vadd.s32 v1, v19;
	v46 =	vadd.s32 v2, v19;
	v47 =	vadd.s32 v3, v19;
	v34 =	vld.idx.msk [tilespmem:v34+s2+$0x0], $0xffff  }
0x82: {  	v48 =	vadd.s32 v4, v19;
	v49 =	vadd.s32 v5, v19;
	v50 =	vadd.s32 v6, v19;
	s19 =	sadd.s32 $0x400, s19;
	v35 =	vld.idx.msk [tilespmem:v35+s2+$0x0], $0xffff  }
0x83: {  	v51 =	vadd.s32 v7, v19;
	v52 =	vadd.s32 v0, v17;
	v36 =	vld.idx.msk [tilespmem:v36+s2+$0x0], $0xffff;
	[tilespmem:s19+$0xFFFFFE00] =	vst v16  }
0x84: {  	v53 =	vadd.s32 v1, v17;
	v54 =	vadd.s32 v2, v17;
	[tilespmem:$0x1FFE0] =	vst v8;
	v8 =	vld.idx.msk [tilespmem:v23+s2+$0x0], $0xffff  }
0x85: {  	v55 =	vadd.s32 v3, v17;
	v56 =	vadd.s32 v4, v17;
	v40 =	vld.idx.msk [tilespmem:v40+s2+$0x0], $0xffff;
	[tilespmem:s19+$0xFFFFFE80] =	vst v31  }
0x86: {  	v15 =	vshll.u32 v15, $0x6;
	v57 =	vadd.s32 v5, v17;
	v58 =	vadd.s32 v6, v17;
	v41 =	vld.idx.msk [tilespmem:v41+s2+$0x0], $0xffff;
	[tilespmem:s19+$0xFFFFFF00] =	vst v21  }
0x87: {  	v59 =	vadd.s32 v7, v17;
	v60 =	vadd.s32 v0, v15;
	v42 =	vld.idx.msk [tilespmem:v42+s2+$0x0], $0xffff;
	[tilespmem:s19+$0xFFFFFF80] =	vst v32  }
0x88: {  	v61 =	vadd.s32 v1, v15;
	v62 =	vadd.s32 v2, v15;
	v20 =	vshll.u32 v20, $0x6;
	v43 =	vld.idx.msk [tilespmem:v43+s2+$0x0], $0xffff;
	[tilespmem:s19+$0x0] =	vst v33  }
0x89: {  	v63 =	vadd.s32 v3, v15;
	v13 =	vadd.s32 v1, v20;
	[tilespmem:$0x1FFF0] =	vst v8;
	v8 =	vld.idx.msk [tilespmem:v14+s2+$0x0], $0xffff  }
0x8a: {  	v19 =	vadd.s32 v4, v20;
	v17 =	vadd.s32 v5, v20;
	v46 =	vld.idx.msk [tilespmem:v46+s2+$0x0], $0xffff;
	[tilespmem:s19+$0x80] =	vst v34  }
0x8b: {  	v9 =	vadd.s32 v5, v15;
	v30 =	vadd.s32 v7, v18;
	v21 =	vld.idx.msk [tilespmem:v22+s2+$0x0], $0xffff;
	[tilespmem:s19+$0x100] =	vst v35  }
0x8c: {  	v10 =	vadd.s32 v6, v15;
	v16 =	vadd.s32 v7, v20;
	v22 =	vld.idx.msk [tilespmem:v37+s2+$0x0], $0xffff;
	[tilespmem:s19+$0x180] =	vst v36  }
0x8d: {  	v11 =	vadd.s32 v7, v15;
	v12 =	vadd.s32 v0, v20;
	v23 =	vadd.s32 v4, v18;
	[tilespmem:s19+$0x1F0] =	vst v25  }
0x8e: {  	v25 =	vadd.s32 v6, v18;
	v14 =	vadd.s32 v2, v20;
	v18 =	vadd.s32 v3, v20;
	[tilespmem:$0x1FF90] =	vst v8  }
0x8f: {  	v8 =	vadd.s32 v4, v15;
	v15 =	vadd.s32 v6, v20;
	v20 =	vld.idx.msk [tilespmem:v29+s2+$0x0], $0xffff;
	[tilespmem:s19+$0xFFFFFE10] =	vst v24  }
0x90: {  	v47 =	vld.idx.msk [tilespmem:v47+s2+$0x0], $0xffff;
	[tilespmem:s19+$0xFFFFFE90] =	vst v26  }
0x91: {  	v48 =	vld.idx.msk [tilespmem:v48+s2+$0x0], $0xffff;
	[tilespmem:s19+$0xFFFFFF10] =	vst v27  }
0x92: {  	v49 =	vld.idx.msk [tilespmem:v49+s2+$0x0], $0xffff;
	[tilespmem:s19+$0xFFFFFF90] =	vst v28  }
0x93: {  	v50 =	vld.idx.msk [tilespmem:v50+s2+$0x0], $0xffff;
	[tilespmem:s19+$0x90] =	vst v21  }
0x94: {  	v52 =	vld.idx.msk [tilespmem:v52+s2+$0x0], $0xffff;
	[tilespmem:s19+$0x110] =	vst v22  }
0x95: {  	v23 =	vld.idx.msk [tilespmem:v23+s2+$0x0], $0xffff;
	[tilespmem:s19+$0x190] =	vst v38  }
0x96: {  	v25 =	vld.idx.msk [tilespmem:v25+s2+$0x0], $0xffff;
	[tilespmem:s19+$0x10] =	vst v20  }
0x97: {  	v20 =	vld.idx.msk [tilespmem:v30+s2+$0x0], $0xffff;
	[tilespmem:s19+$0xFFFFFE20] =	vst v39  }
0x98: {  	v53 =	vld.idx.msk [tilespmem:v53+s2+$0x0], $0xffff;
	[tilespmem:s19+$0xFFFFFEA0] =	vst v40  }
0x99: {  	v21 =	vld.idx.msk [tilespmem:v44+s2+$0x0], $0xffff;
	[tilespmem:s19+$0xFFFFFF20] =	vst v41  }
0x9a: {  	v22 =	vld.idx.msk [tilespmem:v45+s2+$0x0], $0xffff;
	[tilespmem:s19+$0xFFFFFFA0] =	vst v42  }
0x9b: {  	v57 =	vld.idx.msk [tilespmem:v57+s2+$0x0], $0xffff;
	[tilespmem:s19+$0x20] =	vst v23  }
0x9c: {  	v58 =	vld.idx.msk [tilespmem:v58+s2+$0x0], $0xffff;
	[tilespmem:s19+$0xA0] =	vst v43  }
0x9d: {  	v59 =	vld.idx.msk [tilespmem:v59+s2+$0x0], $0xffff;
	[tilespmem:s19+$0x120] =	vst v25  }
0x9e: {  	v23 =	vld.idx.msk [tilespmem:v51+s2+$0x0], $0xffff;
	[tilespmem:s19+$0xFFFFFE30] =	vst v21  }
0x9f: {  	v60 =	vld.idx.msk [tilespmem:v60+s2+$0x0], $0xffff;
	[tilespmem:s19+$0xFFFFFEB0] =	vst v22  }
0xa0: {  	v61 =	vld.idx.msk [tilespmem:v61+s2+$0x0], $0xffff;
	[tilespmem:s19+$0xFFFFFF30] =	vst v46  }
0xa1: {  	v63 =	vld.idx.msk [tilespmem:v63+s2+$0x0], $0xffff;
	[tilespmem:s19+$0xFFFFFFB0] =	vst v47  }
0xa2: {  	v13 =	vld.idx.msk [tilespmem:v13+s2+$0x0], $0xffff;
	[tilespmem:s19+$0x30] =	vst v48  }
0xa3: {  	v19 =	vld.idx.msk [tilespmem:v19+s2+$0x0], $0xffff;
	[tilespmem:s19+$0xB0] =	vst v49  }
0xa4: {  	v21 =	vld.idx.msk [tilespmem:v55+s2+$0x0], $0xffff;
	[tilespmem:s19+$0x130] =	vst v50  }
0xa5: {  	v22 =	vld.idx.msk [tilespmem:v56+s2+$0x0], $0xffff;
	[tilespmem:s19+$0x1A0] =	vst v20  }
0xa6: {  	v17 =	vld.idx.msk [tilespmem:v17+s2+$0x0], $0xffff;
	[tilespmem:s19+$0x1B0] =	vst v23  }
0xa7: {  	v20 =	vld.idx.msk [tilespmem:v54+s2+$0x0], $0xffff;
	[tilespmem:s19+$0xFFFFFE40] =	vst v52  }
0xa8: {  	v9 =	vld.idx.msk [tilespmem:v9+s2+$0x0], $0xffff;
	[tilespmem:s19+$0xFFFFFEC0] =	vst v53  }
0xa9: {  	v10 =	vld.idx.msk [tilespmem:v10+s2+$0x0], $0xffff;
	[tilespmem:s19+$0xFFFFFFC0] =	vst v21  }
0xaa: {  	v16 =	vld.idx.msk [tilespmem:v16+s2+$0x0], $0xffff;
	[tilespmem:s19+$0x40] =	vst v22  }
0xab: {  	v11 =	vld.idx.msk [tilespmem:v11+s2+$0x0], $0xffff;
	[tilespmem:s19+$0xC0] =	vst v57  }
0xac: {  	v8 =	vld.idx.msk [tilespmem:v8+s2+$0x0], $0xffff;
	[tilespmem:s19+$0x140] =	vst v58  }
0xad: {  	v12 =	vld.idx.msk [tilespmem:v12+s2+$0x0], $0xffff;
	[tilespmem:s19+$0x1C0] =	vst v59  }
0xae: {  	v23 =	vld.idx.msk [tilespmem:v62+s2+$0x0], $0xffff;
	[tilespmem:s19+$0xFFFFFE50] =	vst v60  }
0xaf: {  	v18 =	vld.idx.msk [tilespmem:v18+s2+$0x0], $0xffff;
	[tilespmem:s19+$0xFFFFFED0] =	vst v61  }
0xb0: {  	v15 =	vld.idx.msk [tilespmem:v15+s2+$0x0], $0xffff;
	[tilespmem:s19+$0xFFFFFFD0] =	vst v63  }
0xb1: {  	[tilespmem:s19+$0x50] =	vst v8;
	v8 =	vld [tilespmem:$0x1FFA0]  }
0xb2: {  	s20 =	sadd.s32 $0x8, s20;
	[tilespmem:s19+$0xD0] =	vst v9;
	v9 =	vld [tilespmem:$0x1FFB0]  }
0xb3: {  	p0 =	slt.u32 s20, $0xF8;
	[tilespmem:s19+$0x150] =	vst v10;
	v10 =	vld [tilespmem:$0x1FFC0]  }
.Ltmp0:
0xb4: {  	[tilespmem:s19+$0x1D0] =	vst v11;
	v11 =	vld [tilespmem:$0x1FFD0];
	(pc) =	sbr.rel @p0 .LBB2_2-.Ltmp0, $4  }
0xb5: {  	[tilespmem:s19+$0xFFFFFF40] =	vst v20;
	v20 =	vld.idx.msk [tilespmem:v14+s2+$0x0], $0xffff  }
0xb6: {  	v14 =	vld [tilespmem:$0x1FF90];
	[tilespmem:s19+$0xFFFFFF50] =	vst v23  }
0xb7: {  	[tilespmem:s19+$0xFFFFFE60] =	vst v12;
	v12 =	vld [tilespmem:$0x1FFE0]  }
0xb8: {  	s21 =	sadd.s32 $0x80, s21;
	[tilespmem:s19+$0xFFFFFEE0] =	vst v13;
	v13 =	vld [tilespmem:$0x1FFF0]  }
0xb9: {  	[tilespmem:s19+$0xFFFFFFE0] =	vst v18  }
0xba: {  	[tilespmem:s19+$0x60] =	vst v19  }
0xbb: {  	[tilespmem:s19+$0xE0] =	vst v17  }
0xbc: {  	[tilespmem:s19+$0x160] =	vst v15  }
0xbd: {  	[tilespmem:s19+$0x1E0] =	vst v16  }
0xbe: {  	[tilespmem:s19+$0xFFFFFE70] =	vst v8  }
0xbf: {  	[tilespmem:s19+$0xFFFFFEF0] =	vst v9  }
0xc0: {  	[tilespmem:s19+$0xFFFFFF70] =	vst v10  }
0xc1: {  	[tilespmem:s19+$0xFFFFFFF0] =	vst v11  }
0xc2: {  	[tilespmem:s19+$0xFFFFFF60] =	vst v20  }
0xc3: {  	[tilespmem:s19+$0x170] =	vst v14  }
0xc4: {  	[tilespmem:s19+$0x70] =	vst v12  }
0xc5: {  	s31 =	simm.s32 $0x5070;
	[tilespmem:s19+$0xF0] =	vst v13  }
0xc6: {  	[hbm4b:s5+s2] =	stream.linear.scatter [tilespmem:s14], [sflag:$0x1], $0x8000, $0x38;
	[tilespmem:$0x18000] =	vst v63  }
0xc7: {  	v8 =	vld [tilespmem:s31+$0x0];
	_ =	sdelay $0x3  }
0xc8: {  	v16 =	vld [tilespmem:s31+$0xFFFFFFA0]  }
0xc9: {  	v17 =	vld [tilespmem:s31+$0xFFFFFFB0];
	v10 =	vshll.u32 v8, $0x6  }
0xca: {  	v18 =	vld [tilespmem:s31+$0xFFFFFFC0];
	v8 =	vadd.s32 v0, v10  }
0xcb: {  	v19 =	vld [tilespmem:s31+$0xFFFFFFD0];
	v9 =	vadd.s32 v7, v10  }
0xcc: {  	v11 =	vld [tilespmem:s31+$0xFFFFFF90];
	v12 =	vadd.s32 v1, v10  }
0xcd: {  	v20 =	vld [tilespmem:s31+$0xFFFFFFE0];
	v13 =	vadd.s32 v2, v10  }
0xce: {  	v15 =	vld [tilespmem:s31+$0xFFFFFFF0];
	v14 =	vadd.s32 v3, v10  }
0xcf: {  	v21 =	vadd.s32 v4, v10;
	v8 =	vld.idx.msk [tilespmem:v8+s2+$0x0], $0xffff  }
0xd0: {  	v22 =	vadd.s32 v5, v10;
	v23 =	vld.idx.msk [tilespmem:v9+s2+$0x0], $0xffff  }
0xd1: {  	v24 =	vshll.u32 v11, $0x6;
	v25 =	vadd.s32 v6, v10;
	v9 =	vld.idx.msk [tilespmem:v12+s2+$0x0], $0xffff  }
0xd2: {  	v26 =	vadd.s32 v0, v24;
	v10 =	vld.idx.msk [tilespmem:v13+s2+$0x0], $0xffff  }
0xd3: {  	v27 =	vadd.s32 v1, v24;
	v11 =	vld.idx.msk [tilespmem:v14+s2+$0x0], $0xffff  }
0xd4: {  	v28 =	vadd.s32 v2, v24;
	v12 =	vld.idx.msk [tilespmem:v21+s2+$0x0], $0xffff  }
0xd5: {  	v63 =	vadd.s32 v5, v24;
	v13 =	vld.idx.msk [tilespmem:v22+s2+$0x0], $0xffff  }
0xd6: {  	v29 =	vadd.s32 v6, v24;
	v14 =	vld.idx.msk [tilespmem:v25+s2+$0x0], $0xffff  }
0xd7: {  	v21 =	vadd.s32 v3, v24;
	v26 =	vld.idx.msk [tilespmem:v26+s2+$0x0], $0xffff  }
0xd8: {  	v22 =	vadd.s32 v4, v24;
	v27 =	vld.idx.msk [tilespmem:v27+s2+$0x0], $0xffff  }
0xd9: {  	v16 =	vshll.u32 v16, $0x6;
	v24 =	vadd.s32 v7, v24;
	v28 =	vld.idx.msk [tilespmem:v28+s2+$0x0], $0xffff  }
0xda: {  	v30 =	vadd.s32 v0, v16;
	v25 =	vld.idx.msk [tilespmem:v63+s2+$0x0], $0xffff  }
0xdb: {  	v31 =	vadd.s32 v1, v16;
	v29 =	vld.idx.msk [tilespmem:v29+s2+$0x0], $0xffff  }
0xdc: {  	s19 =	simm.s32 $0x10200;
	v32 =	vadd.s32 v2, v16;
	v21 =	vld.idx.msk [tilespmem:v21+s2+$0x0], $0xffff  }
0xdd: {  	v33 =	vadd.s32 v3, v16;
	v22 =	vld.idx.msk [tilespmem:v22+s2+$0x0], $0xffff;
	[tilespmem:s19+$0x1F0] =	vst v23  }
0xde: {  	v36 =	vadd.s32 v5, v16;
	v24 =	vld.idx.msk [tilespmem:v24+s2+$0x0], $0xffff;
	[tilespmem:s19+$0xFFFFFE00] =	vst v26  }
0xdf: {  	v37 =	vadd.s32 v6, v16;
	v30 =	vld.idx.msk [tilespmem:v30+s2+$0x0], $0xffff;
	[tilespmem:s19+$0xFFFFFE80] =	vst v27  }
0xe0: {  	v31 =	vld.idx.msk [tilespmem:v31+s2+$0x0], $0xffff;
	v23 =	vadd.s32 v4, v16;
	[tilespmem:s19+$0xFFFFFF00] =	vst v28  }
0xe1: {  	v17 =	vshll.u32 v17, $0x6;
	v38 =	vld.idx.msk [tilespmem:v32+s2+$0x0], $0xffff;
	v16 =	vadd.s32 v7, v16;
	[tilespmem:s19+$0x80] =	vst v25  }
0xe2: {  	v40 =	vadd.s32 v2, v17;
	v39 =	vld.idx.msk [tilespmem:v33+s2+$0x0], $0xffff;
	[tilespmem:s19+$0x100] =	vst v29  }
0xe3: {  	v41 =	vadd.s32 v3, v17;
	v26 =	vld.idx.msk [tilespmem:v36+s2+$0x0], $0xffff;
	[tilespmem:s19+$0xFFFFFF80] =	vst v21  }
0xe4: {  	v42 =	vadd.s32 v4, v17;
	v27 =	vld.idx.msk [tilespmem:v37+s2+$0x0], $0xffff;
	[tilespmem:s19+$0x0] =	vst v22  }
0xe5: {  	v21 =	vadd.s32 v0, v17;
	v23 =	vld.idx.msk [tilespmem:v23+s2+$0x0], $0xffff;
	[tilespmem:s19+$0x180] =	vst v24  }
0xe6: {  	v22 =	vadd.s32 v1, v17;
	v16 =	vld.idx.msk [tilespmem:v16+s2+$0x0], $0xffff;
	[tilespmem:s19+$0xFFFFFE10] =	vst v30  }
0xe7: {  	v43 =	vadd.s32 v5, v17;
	v25 =	vld.idx.msk [tilespmem:v40+s2+$0x0], $0xffff;
	[tilespmem:s19+$0xFFFFFE90] =	vst v31  }
0xe8: {  	v44 =	vadd.s32 v6, v17;
	v29 =	vld.idx.msk [tilespmem:v41+s2+$0x0], $0xffff;
	[tilespmem:s19+$0xFFFFFF10] =	vst v38  }
0xe9: {  	v18 =	vshll.u32 v18, $0x6;
	v17 =	vadd.s32 v7, v17;
	[tilespmem:s19+$0xFFFFFF90] =	vst v39;
	v24 =	vld.idx.msk [tilespmem:v42+s2+$0x0], $0xffff  }
0xea: {  	v46 =	vadd.s32 v2, v18;
	[tilespmem:s19+$0x90] =	vst v26;
	v21 =	vld.idx.msk [tilespmem:v21+s2+$0x0], $0xffff  }
0xeb: {  	v45 =	vadd.s32 v0, v18;
	[tilespmem:s19+$0x110] =	vst v27;
	v22 =	vld.idx.msk [tilespmem:v22+s2+$0x0], $0xffff  }
0xec: {  	v47 =	vadd.s32 v3, v18;
	v30 =	vld.idx.msk [tilespmem:v43+s2+$0x0], $0xffff;
	[tilespmem:s19+$0x10] =	vst v23  }
0xed: {  	v31 =	vld.idx.msk [tilespmem:v44+s2+$0x0], $0xffff;
	v23 =	vadd.s32 v1, v18;
	[tilespmem:s19+$0x190] =	vst v16  }
0xee: {  	v16 =	vadd.s32 v4, v18;
	v17 =	vld.idx.msk [tilespmem:v17+s2+$0x0], $0xffff;
	[tilespmem:s19+$0xFFFFFF20] =	vst v25  }
0xef: {  	v48 =	vld.idx.msk [tilespmem:v46+s2+$0x0], $0xffff;
	[tilespmem:s19+$0xFFFFFE20] =	vst v21;
	v21 =	vadd.s32 v5, v18  }
0xf0: {  	v28 =	vld.idx.msk [tilespmem:v45+s2+$0x0], $0xffff;
	[tilespmem:s19+$0xFFFFFEA0] =	vst v22;
	v22 =	vadd.s32 v6, v18  }
0xf1: {  	v19 =	vshll.u32 v19, $0x6;
	v27 =	vld.idx.msk [tilespmem:v47+s2+$0x0], $0xffff;
	[tilespmem:s19+$0xFFFFFFA0] =	vst v29;
	v18 =	vadd.s32 v7, v18  }
0xf2: {  	v51 =	vadd.s32 v2, v19;
	[tilespmem:s19+$0x20] =	vst v24;
	v23 =	vld.idx.msk [tilespmem:v23+s2+$0x0], $0xffff  }
0xf3: {  	v52 =	vadd.s32 v3, v19;
	[tilespmem:s19+$0xA0] =	vst v30;
	v16 =	vld.idx.msk [tilespmem:v16+s2+$0x0], $0xffff  }
0xf4: {  	v49 =	vadd.s32 v0, v19;
	[tilespmem:s19+$0x120] =	vst v31;
	v21 =	vld.idx.msk [tilespmem:v21+s2+$0x0], $0xffff  }
0xf5: {  	v50 =	vadd.s32 v1, v19;
	[tilespmem:s19+$0x1A0] =	vst v17;
	v22 =	vld.idx.msk [tilespmem:v22+s2+$0x0], $0xffff  }
0xf6: {  	v17 =	vadd.s32 v4, v19;
	v18 =	vld.idx.msk [tilespmem:v18+s2+$0x0], $0xffff;
	[tilespmem:s19+$0xFFFFFE30] =	vst v28  }
0xf7: {  	v53 =	vadd.s32 v5, v19;
	v54 =	vld.idx.msk [tilespmem:v51+s2+$0x0], $0xffff;
	[tilespmem:s19+$0xFFFFFEB0] =	vst v23  }
0xf8: {  	v56 =	vld.idx.msk [tilespmem:v52+s2+$0x0], $0xffff;
	v23 =	vadd.s32 v6, v19;
	[tilespmem:s19+$0xFFFFFF30] =	vst v48  }
0xf9: {  	v20 =	vshll.u32 v20, $0x6;
	v26 =	vld.idx.msk [tilespmem:v49+s2+$0x0], $0xffff;
	v19 =	vadd.s32 v7, v19;
	[tilespmem:s19+$0xFFFFFFB0] =	vst v27  }
0xfa: {  	v55 =	vadd.s32 v0, v20;
	v24 =	vld.idx.msk [tilespmem:v50+s2+$0x0], $0xffff;
	[tilespmem:s19+$0x30] =	vst v16  }
0xfb: {  	v16 =	vadd.s32 v1, v20;
	v17 =	vld.idx.msk [tilespmem:v17+s2+$0x0], $0xffff;
	[tilespmem:s19+$0xB0] =	vst v21  }
0xfc: {  	v57 =	vadd.s32 v5, v20;
	v28 =	vld.idx.msk [tilespmem:v53+s2+$0x0], $0xffff;
	[tilespmem:s19+$0x130] =	vst v22  }
0xfd: {  	v58 =	vadd.s32 v6, v20;
	v23 =	vld.idx.msk [tilespmem:v23+s2+$0x0], $0xffff;
	[tilespmem:s19+$0x1B0] =	vst v18  }
0xfe: {  	v21 =	vadd.s32 v2, v20;
	v19 =	vld.idx.msk [tilespmem:v19+s2+$0x0], $0xffff;
	[tilespmem:s19+$0xFFFFFE40] =	vst v26  }
0xff: {  	v27 =	vld.idx.msk [tilespmem:v55+s2+$0x0], $0xffff;
	v22 =	vadd.s32 v3, v20;
	[tilespmem:s19+$0xFFFFFEC0] =	vst v24  }
0x100: {  	v18 =	vadd.s32 v4, v20;
	v16 =	vld.idx.msk [tilespmem:v16+s2+$0x0], $0xffff;
	[tilespmem:s19+$0xFFFFFF40] =	vst v54  }
0x101: {  	v15 =	vshll.u32 v15, $0x6;
	v20 =	vadd.s32 v7, v20;
	[tilespmem:s19+$0xFFFFFFC0] =	vst v56;
	v26 =	vld.idx.msk [tilespmem:v57+s2+$0x0], $0xffff  }
0x102: {  	v59 =	vadd.s32 v0, v15;
	[tilespmem:s19+$0x40] =	vst v17;
	v24 =	vld.idx.msk [tilespmem:v58+s2+$0x0], $0xffff  }
0x103: {  	v17 =	vadd.s32 v1, v15;
	[tilespmem:s19+$0xC0] =	vst v28;
	v21 =	vld.idx.msk [tilespmem:v21+s2+$0x0], $0xffff  }
0x104: {  	v62 =	vadd.s32 v5, v15;
	v22 =	vld.idx.msk [tilespmem:v22+s2+$0x0], $0xffff;
	[tilespmem:s19+$0x140] =	vst v23  }
0x105: {  	v60 =	vld.idx.msk [tilespmem:v18+s2+$0x0], $0xffff;
	v18 =	vadd.s32 v2, v15;
	[tilespmem:s19+$0x1C0] =	vst v19  }
0x106: {  	v23 =	vadd.s32 v3, v15;
	v61 =	vld.idx.msk [tilespmem:v20+s2+$0x0], $0xffff;
	[tilespmem:s19+$0xFFFFFE50] =	vst v27  }
0x107: {  	v25 =	vld.idx.msk [tilespmem:v59+s2+$0x0], $0xffff;
	v19 =	vadd.s32 v4, v15;
	[tilespmem:s19+$0xFFFFFED0] =	vst v16  }
0x108: {  	v16 =	vadd.s32 v6, v15;
	v63 =	vld.idx.msk [tilespmem:v17+s2+$0x0], $0xffff;
	[tilespmem:s19+$0xD0] =	vst v26  }
0x109: {  	v17 =	vld.idx.msk [tilespmem:v62+s2+$0x0], $0xffff;
	[tilespmem:s19+$0xFFFFFF50] =	vst v21;
	v21 =	vadd.s32 v7, v15  }
0x10a: {  	[tilespmem:s19+$0x150] =	vst v24;
	v20 =	vld.idx.msk [tilespmem:v18+s2+$0x0], $0xffff  }
0x10b: {  	[tilespmem:s19+$0xFFFFFFD0] =	vst v22;
	v18 =	vld.idx.msk [tilespmem:v23+s2+$0x0], $0xffff  }
0x10c: {  	[tilespmem:s19+$0x50] =	vst v60;
	v19 =	vld.idx.msk [tilespmem:v19+s2+$0x0], $0xffff  }
0x10d: {  	v15 =	vld.idx.msk [tilespmem:v16+s2+$0x0], $0xffff;
	[tilespmem:s19+$0x1D0] =	vst v61  }
0x10e: {  	v16 =	vld.idx.msk [tilespmem:v21+s2+$0x0], $0xffff;
	[tilespmem:s19+$0xFFFFFE60] =	vst v25  }
0x10f: {  	s20 =	simm.s32 $0x0;
	s21 =	simm.s32 $0x50F0;
	[tilespmem:s19+$0xFFFFFEE0] =	vst v63  }
.LBB2_4:
0x110: {  	v21 =	vld [tilespmem:s21+$0x0];
	_ =	sdelay $0x3  }
0x111: {  	[tilespmem:s19+$0xFFFFFF60] =	vst v20  }
0x112: {  	[tilespmem:s19+$0xFFFFFFE0] =	vst v18;
	v21 =	vshll.u32 v21, $0x6  }
0x113: {  	[tilespmem:s19+$0xFFFFFE70] =	vst v8;
	v22 =	vadd.s32 v0, v21  }
0x114: {  	[tilespmem:s19+$0xFFFFFEF0] =	vst v9  }
0x115: {  	v20 =	vld [tilespmem:s21+$0xFFFFFFA0];
	[tilespmem:s19+$0xFFFFFF70] =	vst v10  }
0x116: {  	[tilespmem:s19+$0xFFFFFFF0] =	vst v11  }
0x117: {  	v23 =	vld [tilespmem:s21+$0xFFFFFF90];
	[tilespmem:s19+$0x70] =	vst v12;
	v25 =	vadd.s32 v7, v21  }
0x118: {  	[tilespmem:s19+$0x60] =	vst v19;
	v9 =	vadd.s32 v1, v21;
	v8 =	vld.idx.msk [tilespmem:v22+s2+$0x0], $0xffff  }
0x119: {  	v18 =	vld [tilespmem:s21+$0xFFFFFFB0];
	[tilespmem:s19+$0xE0] =	vst v17  }
0x11a: {  	v19 =	vld [tilespmem:s21+$0xFFFFFFC0];
	[tilespmem:s19+$0x1E0] =	vst v16;
	v16 =	vshll.u32 v20, $0x6  }
0x11b: {  	v17 =	vld [tilespmem:s21+$0xFFFFFFD0];
	v24 =	vadd.s32 v0, v16;
	[tilespmem:s19+$0xF0] =	vst v13  }
0x11c: {  	v26 =	vadd.s32 v1, v16;
	v25 =	vld.idx.msk [tilespmem:v25+s2+$0x0], $0xffff;
	[tilespmem:s19+$0x170] =	vst v14  }
0x11d: {  	v10 =	vadd.s32 v2, v21;
	[tilespmem:$0x1FF30] =	vst v8;
	v8 =	vld.idx.msk [tilespmem:v9+s2+$0x0], $0xffff  }
0x11e: {  	[tilespmem:s19+$0x160] =	vst v15;
	v15 =	vld [tilespmem:s21+$0xFFFFFFE0];
	v27 =	vadd.s32 v2, v16  }
0x11f: {  	v20 =	vld [tilespmem:s21+$0xFFFFFFF0];
	v28 =	vadd.s32 v3, v16  }
0x120: {  	v18 =	vshll.u32 v18, $0x6;
	v38 =	vadd.s32 v7, v16;
	v24 =	vld.idx.msk [tilespmem:v24+s2+$0x0], $0xffff  }
0x121: {  	v39 =	vadd.s32 v0, v18;
	v26 =	vld.idx.msk [tilespmem:v26+s2+$0x0], $0xffff  }
0x122: {  	v11 =	vadd.s32 v3, v21;
	v13 =	vshll.u32 v23, $0x6;
	[tilespmem:$0x1FF40] =	vst v8;
	v8 =	vld.idx.msk [tilespmem:v10+s2+$0x0], $0xffff  }
0x123: {  	v30 =	vadd.s32 v0, v13;
	v27 =	vld.idx.msk [tilespmem:v27+s2+$0x0], $0xffff  }
0x124: {  	v12 =	vadd.s32 v4, v21;
	v31 =	vadd.s32 v1, v13;
	v28 =	vld.idx.msk [tilespmem:v28+s2+$0x0], $0xffff  }
0x125: {  	v23 =	vadd.s32 v5, v21;
	v14 =	vadd.s32 v6, v21;
	v21 =	vadd.s32 v2, v13;
	v38 =	vld.idx.msk [tilespmem:v38+s2+$0x0], $0xffff  }
0x126: {  	v32 =	vadd.s32 v3, v13;
	v39 =	vld.idx.msk [tilespmem:v39+s2+$0x0], $0xffff  }
0x127: {  	v29 =	vadd.s32 v4, v16;
	[tilespmem:$0x1FF50] =	vst v8;
	v8 =	vld.idx.msk [tilespmem:v11+s2+$0x0], $0xffff  }
0x128: {  	v37 =	vadd.s32 v6, v16;
	v22 =	vadd.s32 v5, v16;
	v33 =	vadd.s32 v4, v13;
	v16 =	vld.idx.msk [tilespmem:v30+s2+$0x0], $0xffff  }
0x129: {  	v34 =	vadd.s32 v5, v13;
	v31 =	vld.idx.msk [tilespmem:v31+s2+$0x0], $0xffff  }
0x12a: {  	v35 =	vadd.s32 v6, v13;
	v21 =	vld.idx.msk [tilespmem:v21+s2+$0x0], $0xffff  }
0x12b: {  	v19 =	vshll.u32 v19, $0x6;
	v36 =	vadd.s32 v7, v13;
	v32 =	vld.idx.msk [tilespmem:v32+s2+$0x0], $0xffff  }
0x12c: {  	v17 =	vshll.u32 v17, $0x6;
	v40 =	vadd.s32 v1, v18;
	v41 =	vadd.s32 v2, v18;
	[tilespmem:$0x1FF60] =	vst v8;
	v8 =	vld.idx.msk [tilespmem:v12+s2+$0x0], $0xffff  }
0x12d: {  	v42 =	vadd.s32 v3, v18;
	v43 =	vadd.s32 v5, v18;
	v44 =	vadd.s32 v0, v19;
	v33 =	vld.idx.msk [tilespmem:v33+s2+$0x0], $0xffff  }
0x12e: {  	v45 =	vadd.s32 v1, v19;
	v46 =	vadd.s32 v2, v19;
	v47 =	vadd.s32 v3, v19;
	v34 =	vld.idx.msk [tilespmem:v34+s2+$0x0], $0xffff  }
0x12f: {  	v48 =	vadd.s32 v4, v19;
	v49 =	vadd.s32 v5, v19;
	v50 =	vadd.s32 v6, v19;
	s19 =	sadd.s32 $0x400, s19;
	v35 =	vld.idx.msk [tilespmem:v35+s2+$0x0], $0xffff  }
0x130: {  	v51 =	vadd.s32 v7, v19;
	v52 =	vadd.s32 v0, v17;
	v36 =	vld.idx.msk [tilespmem:v36+s2+$0x0], $0xffff;
	[tilespmem:s19+$0xFFFFFE00] =	vst v16  }
0x131: {  	v53 =	vadd.s32 v1, v17;
	v54 =	vadd.s32 v2, v17;
	[tilespmem:$0x1FF70] =	vst v8;
	v8 =	vld.idx.msk [tilespmem:v23+s2+$0x0], $0xffff  }
0x132: {  	v55 =	vadd.s32 v3, v17;
	v56 =	vadd.s32 v4, v17;
	v40 =	vld.idx.msk [tilespmem:v40+s2+$0x0], $0xffff;
	[tilespmem:s19+$0xFFFFFE80] =	vst v31  }
0x133: {  	v15 =	vshll.u32 v15, $0x6;
	v57 =	vadd.s32 v5, v17;
	v58 =	vadd.s32 v6, v17;
	v41 =	vld.idx.msk [tilespmem:v41+s2+$0x0], $0xffff;
	[tilespmem:s19+$0xFFFFFF00] =	vst v21  }
0x134: {  	v59 =	vadd.s32 v7, v17;
	v60 =	vadd.s32 v0, v15;
	v42 =	vld.idx.msk [tilespmem:v42+s2+$0x0], $0xffff;
	[tilespmem:s19+$0xFFFFFF80] =	vst v32  }
0x135: {  	v61 =	vadd.s32 v1, v15;
	v62 =	vadd.s32 v2, v15;
	v20 =	vshll.u32 v20, $0x6;
	v43 =	vld.idx.msk [tilespmem:v43+s2+$0x0], $0xffff;
	[tilespmem:s19+$0x0] =	vst v33  }
0x136: {  	v63 =	vadd.s32 v3, v15;
	v13 =	vadd.s32 v1, v20;
	[tilespmem:$0x1FF80] =	vst v8;
	v8 =	vld.idx.msk [tilespmem:v14+s2+$0x0], $0xffff  }
0x137: {  	v19 =	vadd.s32 v4, v20;
	v17 =	vadd.s32 v5, v20;
	v46 =	vld.idx.msk [tilespmem:v46+s2+$0x0], $0xffff;
	[tilespmem:s19+$0x80] =	vst v34  }
0x138: {  	v9 =	vadd.s32 v5, v15;
	v30 =	vadd.s32 v7, v18;
	v21 =	vld.idx.msk [tilespmem:v22+s2+$0x0], $0xffff;
	[tilespmem:s19+$0x100] =	vst v35  }
0x139: {  	v10 =	vadd.s32 v6, v15;
	v16 =	vadd.s32 v7, v20;
	v22 =	vld.idx.msk [tilespmem:v37+s2+$0x0], $0xffff;
	[tilespmem:s19+$0x180] =	vst v36  }
0x13a: {  	v11 =	vadd.s32 v7, v15;
	v12 =	vadd.s32 v0, v20;
	v23 =	vadd.s32 v4, v18;
	[tilespmem:s19+$0x1F0] =	vst v25  }
0x13b: {  	v25 =	vadd.s32 v6, v18;
	v14 =	vadd.s32 v2, v20;
	v18 =	vadd.s32 v3, v20;
	[tilespmem:$0x1FF20] =	vst v8  }
0x13c: {  	v8 =	vadd.s32 v4, v15;
	v15 =	vadd.s32 v6, v20;
	v20 =	vld.idx.msk [tilespmem:v29+s2+$0x0], $0xffff;
	[tilespmem:s19+$0xFFFFFE10] =	vst v24  }
0x13d: {  	v47 =	vld.idx.msk [tilespmem:v47+s2+$0x0], $0xffff;
	[tilespmem:s19+$0xFFFFFE90] =	vst v26  }
0x13e: {  	v48 =	vld.idx.msk [tilespmem:v48+s2+$0x0], $0xffff;
	[tilespmem:s19+$0xFFFFFF10] =	vst v27  }
0x13f: {  	v49 =	vld.idx.msk [tilespmem:v49+s2+$0x0], $0xffff;
	[tilespmem:s19+$0xFFFFFF90] =	vst v28  }
0x140: {  	v50 =	vld.idx.msk [tilespmem:v50+s2+$0x0], $0xffff;
	[tilespmem:s19+$0x90] =	vst v21  }
0x141: {  	v52 =	vld.idx.msk [tilespmem:v52+s2+$0x0], $0xffff;
	[tilespmem:s19+$0x110] =	vst v22  }
0x142: {  	v23 =	vld.idx.msk [tilespmem:v23+s2+$0x0], $0xffff;
	[tilespmem:s19+$0x190] =	vst v38  }
0x143: {  	v25 =	vld.idx.msk [tilespmem:v25+s2+$0x0], $0xffff;
	[tilespmem:s19+$0x10] =	vst v20  }
0x144: {  	v20 =	vld.idx.msk [tilespmem:v30+s2+$0x0], $0xffff;
	[tilespmem:s19+$0xFFFFFE20] =	vst v39  }
0x145: {  	v53 =	vld.idx.msk [tilespmem:v53+s2+$0x0], $0xffff;
	[tilespmem:s19+$0xFFFFFEA0] =	vst v40  }
0x146: {  	v21 =	vld.idx.msk [tilespmem:v44+s2+$0x0], $0xffff;
	[tilespmem:s19+$0xFFFFFF20] =	vst v41  }
0x147: {  	v22 =	vld.idx.msk [tilespmem:v45+s2+$0x0], $0xffff;
	[tilespmem:s19+$0xFFFFFFA0] =	vst v42  }
0x148: {  	v57 =	vld.idx.msk [tilespmem:v57+s2+$0x0], $0xffff;
	[tilespmem:s19+$0x20] =	vst v23  }
0x149: {  	v58 =	vld.idx.msk [tilespmem:v58+s2+$0x0], $0xffff;
	[tilespmem:s19+$0xA0] =	vst v43  }
0x14a: {  	v59 =	vld.idx.msk [tilespmem:v59+s2+$0x0], $0xffff;
	[tilespmem:s19+$0x120] =	vst v25  }
0x14b: {  	v23 =	vld.idx.msk [tilespmem:v51+s2+$0x0], $0xffff;
	[tilespmem:s19+$0xFFFFFE30] =	vst v21  }
0x14c: {  	v60 =	vld.idx.msk [tilespmem:v60+s2+$0x0], $0xffff;
	[tilespmem:s19+$0xFFFFFEB0] =	vst v22  }
0x14d: {  	v61 =	vld.idx.msk [tilespmem:v61+s2+$0x0], $0xffff;
	[tilespmem:s19+$0xFFFFFF30] =	vst v46  }
0x14e: {  	v63 =	vld.idx.msk [tilespmem:v63+s2+$0x0], $0xffff;
	[tilespmem:s19+$0xFFFFFFB0] =	vst v47  }
0x14f: {  	v13 =	vld.idx.msk [tilespmem:v13+s2+$0x0], $0xffff;
	[tilespmem:s19+$0x30] =	vst v48  }
0x150: {  	v19 =	vld.idx.msk [tilespmem:v19+s2+$0x0], $0xffff;
	[tilespmem:s19+$0xB0] =	vst v49  }
0x151: {  	v21 =	vld.idx.msk [tilespmem:v55+s2+$0x0], $0xffff;
	[tilespmem:s19+$0x130] =	vst v50  }
0x152: {  	v22 =	vld.idx.msk [tilespmem:v56+s2+$0x0], $0xffff;
	[tilespmem:s19+$0x1A0] =	vst v20  }
0x153: {  	v17 =	vld.idx.msk [tilespmem:v17+s2+$0x0], $0xffff;
	[tilespmem:s19+$0x1B0] =	vst v23  }
0x154: {  	v20 =	vld.idx.msk [tilespmem:v54+s2+$0x0], $0xffff;
	[tilespmem:s19+$0xFFFFFE40] =	vst v52  }
0x155: {  	v9 =	vld.idx.msk [tilespmem:v9+s2+$0x0], $0xffff;
	[tilespmem:s19+$0xFFFFFEC0] =	vst v53  }
0x156: {  	v10 =	vld.idx.msk [tilespmem:v10+s2+$0x0], $0xffff;
	[tilespmem:s19+$0xFFFFFFC0] =	vst v21  }
0x157: {  	v16 =	vld.idx.msk [tilespmem:v16+s2+$0x0], $0xffff;
	[tilespmem:s19+$0x40] =	vst v22  }
0x158: {  	v11 =	vld.idx.msk [tilespmem:v11+s2+$0x0], $0xffff;
	[tilespmem:s19+$0xC0] =	vst v57  }
0x159: {  	v8 =	vld.idx.msk [tilespmem:v8+s2+$0x0], $0xffff;
	[tilespmem:s19+$0x140] =	vst v58  }
0x15a: {  	v12 =	vld.idx.msk [tilespmem:v12+s2+$0x0], $0xffff;
	[tilespmem:s19+$0x1C0] =	vst v59  }
0x15b: {  	v23 =	vld.idx.msk [tilespmem:v62+s2+$0x0], $0xffff;
	[tilespmem:s19+$0xFFFFFE50] =	vst v60  }
0x15c: {  	v18 =	vld.idx.msk [tilespmem:v18+s2+$0x0], $0xffff;
	[tilespmem:s19+$0xFFFFFED0] =	vst v61  }
0x15d: {  	v15 =	vld.idx.msk [tilespmem:v15+s2+$0x0], $0xffff;
	[tilespmem:s19+$0xFFFFFFD0] =	vst v63  }
0x15e: {  	[tilespmem:s19+$0x50] =	vst v8;
	v8 =	vld [tilespmem:$0x1FF30]  }
0x15f: {  	s20 =	sadd.s32 $0x8, s20;
	[tilespmem:s19+$0xD0] =	vst v9;
	v9 =	vld [tilespmem:$0x1FF40]  }
0x160: {  	p0 =	slt.u32 s20, $0xF8;
	[tilespmem:s19+$0x150] =	vst v10;
	v10 =	vld [tilespmem:$0x1FF50]  }
.Ltmp1:
0x161: {  	[tilespmem:s19+$0x1D0] =	vst v11;
	v11 =	vld [tilespmem:$0x1FF60];
	(pc) =	sbr.rel @p0 .LBB2_4-.Ltmp1, $4  }
0x162: {  	[tilespmem:s19+$0xFFFFFF40] =	vst v20;
	v20 =	vld.idx.msk [tilespmem:v14+s2+$0x0], $0xffff  }
0x163: {  	v14 =	vld [tilespmem:$0x1FF20];
	[tilespmem:s19+$0xFFFFFF50] =	vst v23  }
0x164: {  	[tilespmem:s19+$0xFFFFFE60] =	vst v12;
	v12 =	vld [tilespmem:$0x1FF70]  }
0x165: {  	s21 =	sadd.s32 $0x80, s21;
	[tilespmem:s19+$0xFFFFFEE0] =	vst v13;
	v13 =	vld [tilespmem:$0x1FF80]  }
0x166: {  	[tilespmem:s19+$0xFFFFFFE0] =	vst v18  }
0x167: {  	[tilespmem:s19+$0x60] =	vst v19  }
0x168: {  	[tilespmem:s19+$0xE0] =	vst v17  }
0x169: {  	[tilespmem:s19+$0x160] =	vst v15  }
0x16a: {  	[tilespmem:s19+$0x1E0] =	vst v16  }
0x16b: {  	[tilespmem:s19+$0xFFFFFE70] =	vst v8  }
0x16c: {  	[tilespmem:s19+$0xFFFFFEF0] =	vst v9  }
0x16d: {  	[tilespmem:s19+$0xFFFFFF70] =	vst v10  }
0x16e: {  	[tilespmem:s19+$0xFFFFFFF0] =	vst v11  }
0x16f: {  	[tilespmem:s19+$0xFFFFFF60] =	vst v20  }
0x170: {  	[tilespmem:s19+$0x170] =	vst v14  }
0x171: {  	[tilespmem:s19+$0x70] =	vst v12  }
0x172: {  	[tilespmem:s19+$0xF0] =	vst v13  }
0x173: {  	[hbm4b:s6+s2] =	stream.linear.scatter [tilespmem:s15], [sflag:$0x2], $0x8000, $0x38;
	[tilespmem:$0x18000] =	vst v63  }
0x174: {  	_ =	swait.ge [sflag:s16], $0x8000  }
0x175: {  	[sflag:s16] =	ssyncset.done $0x0  }
0x176: {  	s31 =	simm.s32 $0x6070;
	[sflag:s16] =	ssyncadd.s32 $0xFFFF8000  }
0x177: {  	v8 =	vld [tilespmem:s31+$0x0];
	_ =	sdelay $0x3  }
0x178: {  	v16 =	vld [tilespmem:s31+$0xFFFFFFA0]  }
0x179: {  	v17 =	vld [tilespmem:s31+$0xFFFFFFB0];
	v10 =	vshll.u32 v8, $0x6  }
0x17a: {  	v18 =	vld [tilespmem:s31+$0xFFFFFFC0];
	v8 =	vadd.s32 v0, v10  }
0x17b: {  	v19 =	vld [tilespmem:s31+$0xFFFFFFD0];
	v9 =	vadd.s32 v7, v10  }
0x17c: {  	v11 =	vld [tilespmem:s31+$0xFFFFFF90];
	v12 =	vadd.s32 v1, v10  }
0x17d: {  	v20 =	vld [tilespmem:s31+$0xFFFFFFE0];
	v13 =	vadd.s32 v2, v10  }
0x17e: {  	v15 =	vld [tilespmem:s31+$0xFFFFFFF0];
	v14 =	vadd.s32 v3, v10  }
0x17f: {  	v21 =	vadd.s32 v4, v10;
	v8 =	vld.idx.msk [tilespmem:v8+s2+$0x0], $0xffff  }
0x180: {  	v22 =	vadd.s32 v5, v10;
	v23 =	vld.idx.msk [tilespmem:v9+s2+$0x0], $0xffff  }
0x181: {  	v24 =	vshll.u32 v11, $0x6;
	v25 =	vadd.s32 v6, v10;
	v9 =	vld.idx.msk [tilespmem:v12+s2+$0x0], $0xffff  }
0x182: {  	v26 =	vadd.s32 v0, v24;
	v10 =	vld.idx.msk [tilespmem:v13+s2+$0x0], $0xffff  }
0x183: {  	v27 =	vadd.s32 v1, v24;
	v11 =	vld.idx.msk [tilespmem:v14+s2+$0x0], $0xffff  }
0x184: {  	v28 =	vadd.s32 v2, v24;
	v12 =	vld.idx.msk [tilespmem:v21+s2+$0x0], $0xffff  }
0x185: {  	v63 =	vadd.s32 v5, v24;
	v13 =	vld.idx.msk [tilespmem:v22+s2+$0x0], $0xffff  }
0x186: {  	v29 =	vadd.s32 v6, v24;
	v14 =	vld.idx.msk [tilespmem:v25+s2+$0x0], $0xffff  }
0x187: {  	v21 =	vadd.s32 v3, v24;
	v26 =	vld.idx.msk [tilespmem:v26+s2+$0x0], $0xffff  }
0x188: {  	v22 =	vadd.s32 v4, v24;
	v27 =	vld.idx.msk [tilespmem:v27+s2+$0x0], $0xffff  }
0x189: {  	v16 =	vshll.u32 v16, $0x6;
	v24 =	vadd.s32 v7, v24;
	v28 =	vld.idx.msk [tilespmem:v28+s2+$0x0], $0xffff  }
0x18a: {  	v30 =	vadd.s32 v0, v16;
	v25 =	vld.idx.msk [tilespmem:v63+s2+$0x0], $0xffff  }
0x18b: {  	v31 =	vadd.s32 v1, v16;
	v29 =	vld.idx.msk [tilespmem:v29+s2+$0x0], $0xffff  }
0x18c: {  	s19 =	simm.s32 $0x8200;
	v32 =	vadd.s32 v2, v16;
	v21 =	vld.idx.msk [tilespmem:v21+s2+$0x0], $0xffff  }
0x18d: {  	v33 =	vadd.s32 v3, v16;
	v22 =	vld.idx.msk [tilespmem:v22+s2+$0x0], $0xffff;
	[tilespmem:s19+$0x1F0] =	vst v23  }
0x18e: {  	v36 =	vadd.s32 v5, v16;
	v24 =	vld.idx.msk [tilespmem:v24+s2+$0x0], $0xffff;
	[tilespmem:s19+$0xFFFFFE00] =	vst v26  }
0x18f: {  	v37 =	vadd.s32 v6, v16;
	v30 =	vld.idx.msk [tilespmem:v30+s2+$0x0], $0xffff;
	[tilespmem:s19+$0xFFFFFE80] =	vst v27  }
0x190: {  	v31 =	vld.idx.msk [tilespmem:v31+s2+$0x0], $0xffff;
	v23 =	vadd.s32 v4, v16;
	[tilespmem:s19+$0xFFFFFF00] =	vst v28  }
0x191: {  	v17 =	vshll.u32 v17, $0x6;
	v38 =	vld.idx.msk [tilespmem:v32+s2+$0x0], $0xffff;
	v16 =	vadd.s32 v7, v16;
	[tilespmem:s19+$0x80] =	vst v25  }
0x192: {  	v40 =	vadd.s32 v2, v17;
	v39 =	vld.idx.msk [tilespmem:v33+s2+$0x0], $0xffff;
	[tilespmem:s19+$0x100] =	vst v29  }
0x193: {  	v41 =	vadd.s32 v3, v17;
	v26 =	vld.idx.msk [tilespmem:v36+s2+$0x0], $0xffff;
	[tilespmem:s19+$0xFFFFFF80] =	vst v21  }
0x194: {  	v42 =	vadd.s32 v4, v17;
	v27 =	vld.idx.msk [tilespmem:v37+s2+$0x0], $0xffff;
	[tilespmem:s19+$0x0] =	vst v22  }
0x195: {  	v21 =	vadd.s32 v0, v17;
	v23 =	vld.idx.msk [tilespmem:v23+s2+$0x0], $0xffff;
	[tilespmem:s19+$0x180] =	vst v24  }
0x196: {  	v22 =	vadd.s32 v1, v17;
	v16 =	vld.idx.msk [tilespmem:v16+s2+$0x0], $0xffff;
	[tilespmem:s19+$0xFFFFFE10] =	vst v30  }
0x197: {  	v43 =	vadd.s32 v5, v17;
	v25 =	vld.idx.msk [tilespmem:v40+s2+$0x0], $0xffff;
	[tilespmem:s19+$0xFFFFFE90] =	vst v31  }
0x198: {  	v44 =	vadd.s32 v6, v17;
	v29 =	vld.idx.msk [tilespmem:v41+s2+$0x0], $0xffff;
	[tilespmem:s19+$0xFFFFFF10] =	vst v38  }
0x199: {  	v18 =	vshll.u32 v18, $0x6;
	v17 =	vadd.s32 v7, v17;
	[tilespmem:s19+$0xFFFFFF90] =	vst v39;
	v24 =	vld.idx.msk [tilespmem:v42+s2+$0x0], $0xffff  }
0x19a: {  	v46 =	vadd.s32 v2, v18;
	[tilespmem:s19+$0x90] =	vst v26;
	v21 =	vld.idx.msk [tilespmem:v21+s2+$0x0], $0xffff  }
0x19b: {  	v45 =	vadd.s32 v0, v18;
	[tilespmem:s19+$0x110] =	vst v27;
	v22 =	vld.idx.msk [tilespmem:v22+s2+$0x0], $0xffff  }
0x19c: {  	v47 =	vadd.s32 v3, v18;
	v30 =	vld.idx.msk [tilespmem:v43+s2+$0x0], $0xffff;
	[tilespmem:s19+$0x10] =	vst v23  }
0x19d: {  	v31 =	vld.idx.msk [tilespmem:v44+s2+$0x0], $0xffff;
	v23 =	vadd.s32 v1, v18;
	[tilespmem:s19+$0x190] =	vst v16  }
0x19e: {  	v16 =	vadd.s32 v4, v18;
	v17 =	vld.idx.msk [tilespmem:v17+s2+$0x0], $0xffff;
	[tilespmem:s19+$0xFFFFFF20] =	vst v25  }
0x19f: {  	v48 =	vld.idx.msk [tilespmem:v46+s2+$0x0], $0xffff;
	[tilespmem:s19+$0xFFFFFE20] =	vst v21;
	v21 =	vadd.s32 v5, v18  }
0x1a0: {  	v28 =	vld.idx.msk [tilespmem:v45+s2+$0x0], $0xffff;
	[tilespmem:s19+$0xFFFFFEA0] =	vst v22;
	v22 =	vadd.s32 v6, v18  }
0x1a1: {  	v19 =	vshll.u32 v19, $0x6;
	v27 =	vld.idx.msk [tilespmem:v47+s2+$0x0], $0xffff;
	[tilespmem:s19+$0xFFFFFFA0] =	vst v29;
	v18 =	vadd.s32 v7, v18  }
0x1a2: {  	v51 =	vadd.s32 v2, v19;
	[tilespmem:s19+$0x20] =	vst v24;
	v23 =	vld.idx.msk [tilespmem:v23+s2+$0x0], $0xffff  }
0x1a3: {  	v52 =	vadd.s32 v3, v19;
	[tilespmem:s19+$0xA0] =	vst v30;
	v16 =	vld.idx.msk [tilespmem:v16+s2+$0x0], $0xffff  }
0x1a4: {  	v49 =	vadd.s32 v0, v19;
	[tilespmem:s19+$0x120] =	vst v31;
	v21 =	vld.idx.msk [tilespmem:v21+s2+$0x0], $0xffff  }
0x1a5: {  	v50 =	vadd.s32 v1, v19;
	[tilespmem:s19+$0x1A0] =	vst v17;
	v22 =	vld.idx.msk [tilespmem:v22+s2+$0x0], $0xffff  }
0x1a6: {  	v17 =	vadd.s32 v4, v19;
	v18 =	vld.idx.msk [tilespmem:v18+s2+$0x0], $0xffff;
	[tilespmem:s19+$0xFFFFFE30] =	vst v28  }
0x1a7: {  	v53 =	vadd.s32 v5, v19;
	v54 =	vld.idx.msk [tilespmem:v51+s2+$0x0], $0xffff;
	[tilespmem:s19+$0xFFFFFEB0] =	vst v23  }
0x1a8: {  	v56 =	vld.idx.msk [tilespmem:v52+s2+$0x0], $0xffff;
	v23 =	vadd.s32 v6, v19;
	[tilespmem:s19+$0xFFFFFF30] =	vst v48  }
0x1a9: {  	v20 =	vshll.u32 v20, $0x6;
	v26 =	vld.idx.msk [tilespmem:v49+s2+$0x0], $0xffff;
	v19 =	vadd.s32 v7, v19;
	[tilespmem:s19+$0xFFFFFFB0] =	vst v27  }
0x1aa: {  	v55 =	vadd.s32 v0, v20;
	v24 =	vld.idx.msk [tilespmem:v50+s2+$0x0], $0xffff;
	[tilespmem:s19+$0x30] =	vst v16  }
0x1ab: {  	v16 =	vadd.s32 v1, v20;
	v17 =	vld.idx.msk [tilespmem:v17+s2+$0x0], $0xffff;
	[tilespmem:s19+$0xB0] =	vst v21  }
0x1ac: {  	v57 =	vadd.s32 v5, v20;
	v28 =	vld.idx.msk [tilespmem:v53+s2+$0x0], $0xffff;
	[tilespmem:s19+$0x130] =	vst v22  }
0x1ad: {  	v58 =	vadd.s32 v6, v20;
	v23 =	vld.idx.msk [tilespmem:v23+s2+$0x0], $0xffff;
	[tilespmem:s19+$0x1B0] =	vst v18  }
0x1ae: {  	v21 =	vadd.s32 v2, v20;
	v19 =	vld.idx.msk [tilespmem:v19+s2+$0x0], $0xffff;
	[tilespmem:s19+$0xFFFFFE40] =	vst v26  }
0x1af: {  	v27 =	vld.idx.msk [tilespmem:v55+s2+$0x0], $0xffff;
	v22 =	vadd.s32 v3, v20;
	[tilespmem:s19+$0xFFFFFEC0] =	vst v24  }
0x1b0: {  	v18 =	vadd.s32 v4, v20;
	v16 =	vld.idx.msk [tilespmem:v16+s2+$0x0], $0xffff;
	[tilespmem:s19+$0xFFFFFF40] =	vst v54  }
0x1b1: {  	v15 =	vshll.u32 v15, $0x6;
	v20 =	vadd.s32 v7, v20;
	[tilespmem:s19+$0xFFFFFFC0] =	vst v56;
	v26 =	vld.idx.msk [tilespmem:v57+s2+$0x0], $0xffff  }
0x1b2: {  	v59 =	vadd.s32 v0, v15;
	[tilespmem:s19+$0x40] =	vst v17;
	v24 =	vld.idx.msk [tilespmem:v58+s2+$0x0], $0xffff  }
0x1b3: {  	v17 =	vadd.s32 v1, v15;
	[tilespmem:s19+$0xC0] =	vst v28;
	v21 =	vld.idx.msk [tilespmem:v21+s2+$0x0], $0xffff  }
0x1b4: {  	v62 =	vadd.s32 v5, v15;
	v22 =	vld.idx.msk [tilespmem:v22+s2+$0x0], $0xffff;
	[tilespmem:s19+$0x140] =	vst v23  }
0x1b5: {  	v60 =	vld.idx.msk [tilespmem:v18+s2+$0x0], $0xffff;
	v18 =	vadd.s32 v2, v15;
	[tilespmem:s19+$0x1C0] =	vst v19  }
0x1b6: {  	v23 =	vadd.s32 v3, v15;
	v61 =	vld.idx.msk [tilespmem:v20+s2+$0x0], $0xffff;
	[tilespmem:s19+$0xFFFFFE50] =	vst v27  }
0x1b7: {  	v25 =	vld.idx.msk [tilespmem:v59+s2+$0x0], $0xffff;
	v19 =	vadd.s32 v4, v15;
	[tilespmem:s19+$0xFFFFFED0] =	vst v16  }
0x1b8: {  	v16 =	vadd.s32 v6, v15;
	v63 =	vld.idx.msk [tilespmem:v17+s2+$0x0], $0xffff;
	[tilespmem:s19+$0xD0] =	vst v26  }
0x1b9: {  	v17 =	vld.idx.msk [tilespmem:v62+s2+$0x0], $0xffff;
	[tilespmem:s19+$0xFFFFFF50] =	vst v21;
	v21 =	vadd.s32 v7, v15  }
0x1ba: {  	[tilespmem:s19+$0x150] =	vst v24;
	v20 =	vld.idx.msk [tilespmem:v18+s2+$0x0], $0xffff  }
0x1bb: {  	[tilespmem:s19+$0xFFFFFFD0] =	vst v22;
	v18 =	vld.idx.msk [tilespmem:v23+s2+$0x0], $0xffff  }
0x1bc: {  	[tilespmem:s19+$0x50] =	vst v60;
	v19 =	vld.idx.msk [tilespmem:v19+s2+$0x0], $0xffff  }
0x1bd: {  	v15 =	vld.idx.msk [tilespmem:v16+s2+$0x0], $0xffff;
	[tilespmem:s19+$0x1D0] =	vst v61  }
0x1be: {  	v16 =	vld.idx.msk [tilespmem:v21+s2+$0x0], $0xffff;
	[tilespmem:s19+$0xFFFFFE60] =	vst v25  }
0x1bf: {  	s20 =	simm.s32 $0x0;
	s21 =	simm.s32 $0x60F0;
	[tilespmem:s19+$0xFFFFFEE0] =	vst v63  }
.LBB2_6:
0x1c0: {  	v21 =	vld [tilespmem:s21+$0x0];
	_ =	sdelay $0x3  }
0x1c1: {  	[tilespmem:s19+$0xFFFFFF60] =	vst v20  }
0x1c2: {  	[tilespmem:s19+$0xFFFFFFE0] =	vst v18;
	v21 =	vshll.u32 v21, $0x6  }
0x1c3: {  	[tilespmem:s19+$0xFFFFFE70] =	vst v8;
	v22 =	vadd.s32 v0, v21  }
0x1c4: {  	[tilespmem:s19+$0xFFFFFEF0] =	vst v9  }
0x1c5: {  	v20 =	vld [tilespmem:s21+$0xFFFFFFA0];
	[tilespmem:s19+$0xFFFFFF70] =	vst v10  }
0x1c6: {  	[tilespmem:s19+$0xFFFFFFF0] =	vst v11  }
0x1c7: {  	v23 =	vld [tilespmem:s21+$0xFFFFFF90];
	[tilespmem:s19+$0x70] =	vst v12;
	v25 =	vadd.s32 v7, v21  }
0x1c8: {  	[tilespmem:s19+$0x60] =	vst v19;
	v9 =	vadd.s32 v1, v21;
	v8 =	vld.idx.msk [tilespmem:v22+s2+$0x0], $0xffff  }
0x1c9: {  	v18 =	vld [tilespmem:s21+$0xFFFFFFB0];
	[tilespmem:s19+$0xE0] =	vst v17  }
0x1ca: {  	v19 =	vld [tilespmem:s21+$0xFFFFFFC0];
	[tilespmem:s19+$0x1E0] =	vst v16;
	v16 =	vshll.u32 v20, $0x6  }
0x1cb: {  	v17 =	vld [tilespmem:s21+$0xFFFFFFD0];
	v24 =	vadd.s32 v0, v16;
	[tilespmem:s19+$0xF0] =	vst v13  }
0x1cc: {  	v26 =	vadd.s32 v1, v16;
	v25 =	vld.idx.msk [tilespmem:v25+s2+$0x0], $0xffff;
	[tilespmem:s19+$0x170] =	vst v14  }
0x1cd: {  	v10 =	vadd.s32 v2, v21;
	[tilespmem:$0x1FEC0] =	vst v8;
	v8 =	vld.idx.msk [tilespmem:v9+s2+$0x0], $0xffff  }
0x1ce: {  	[tilespmem:s19+$0x160] =	vst v15;
	v15 =	vld [tilespmem:s21+$0xFFFFFFE0];
	v27 =	vadd.s32 v2, v16  }
0x1cf: {  	v20 =	vld [tilespmem:s21+$0xFFFFFFF0];
	v28 =	vadd.s32 v3, v16  }
0x1d0: {  	v18 =	vshll.u32 v18, $0x6;
	v38 =	vadd.s32 v7, v16;
	v24 =	vld.idx.msk [tilespmem:v24+s2+$0x0], $0xffff  }
0x1d1: {  	v39 =	vadd.s32 v0, v18;
	v26 =	vld.idx.msk [tilespmem:v26+s2+$0x0], $0xffff  }
0x1d2: {  	v11 =	vadd.s32 v3, v21;
	v13 =	vshll.u32 v23, $0x6;
	[tilespmem:$0x1FED0] =	vst v8;
	v8 =	vld.idx.msk [tilespmem:v10+s2+$0x0], $0xffff  }
0x1d3: {  	v30 =	vadd.s32 v0, v13;
	v27 =	vld.idx.msk [tilespmem:v27+s2+$0x0], $0xffff  }
0x1d4: {  	v12 =	vadd.s32 v4, v21;
	v31 =	vadd.s32 v1, v13;
	v28 =	vld.idx.msk [tilespmem:v28+s2+$0x0], $0xffff  }
0x1d5: {  	v23 =	vadd.s32 v5, v21;
	v14 =	vadd.s32 v6, v21;
	v21 =	vadd.s32 v2, v13;
	v38 =	vld.idx.msk [tilespmem:v38+s2+$0x0], $0xffff  }
0x1d6: {  	v32 =	vadd.s32 v3, v13;
	v39 =	vld.idx.msk [tilespmem:v39+s2+$0x0], $0xffff  }
0x1d7: {  	v29 =	vadd.s32 v4, v16;
	[tilespmem:$0x1FEE0] =	vst v8;
	v8 =	vld.idx.msk [tilespmem:v11+s2+$0x0], $0xffff  }
0x1d8: {  	v37 =	vadd.s32 v6, v16;
	v22 =	vadd.s32 v5, v16;
	v33 =	vadd.s32 v4, v13;
	v16 =	vld.idx.msk [tilespmem:v30+s2+$0x0], $0xffff  }
0x1d9: {  	v34 =	vadd.s32 v5, v13;
	v31 =	vld.idx.msk [tilespmem:v31+s2+$0x0], $0xffff  }
0x1da: {  	v35 =	vadd.s32 v6, v13;
	v21 =	vld.idx.msk [tilespmem:v21+s2+$0x0], $0xffff  }
0x1db: {  	v19 =	vshll.u32 v19, $0x6;
	v36 =	vadd.s32 v7, v13;
	v32 =	vld.idx.msk [tilespmem:v32+s2+$0x0], $0xffff  }
0x1dc: {  	v17 =	vshll.u32 v17, $0x6;
	v40 =	vadd.s32 v1, v18;
	v41 =	vadd.s32 v2, v18;
	[tilespmem:$0x1FEF0] =	vst v8;
	v8 =	vld.idx.msk [tilespmem:v12+s2+$0x0], $0xffff  }
0x1dd: {  	v42 =	vadd.s32 v3, v18;
	v43 =	vadd.s32 v5, v18;
	v44 =	vadd.s32 v0, v19;
	v33 =	vld.idx.msk [tilespmem:v33+s2+$0x0], $0xffff  }
0x1de: {  	v45 =	vadd.s32 v1, v19;
	v46 =	vadd.s32 v2, v19;
	v47 =	vadd.s32 v3, v19;
	v34 =	vld.idx.msk [tilespmem:v34+s2+$0x0], $0xffff  }
0x1df: {  	v48 =	vadd.s32 v4, v19;
	v49 =	vadd.s32 v5, v19;
	v50 =	vadd.s32 v6, v19;
	s19 =	sadd.s32 $0x400, s19;
	v35 =	vld.idx.msk [tilespmem:v35+s2+$0x0], $0xffff  }
0x1e0: {  	v51 =	vadd.s32 v7, v19;
	v52 =	vadd.s32 v0, v17;
	v36 =	vld.idx.msk [tilespmem:v36+s2+$0x0], $0xffff;
	[tilespmem:s19+$0xFFFFFE00] =	vst v16  }
0x1e1: {  	v53 =	vadd.s32 v1, v17;
	v54 =	vadd.s32 v2, v17;
	[tilespmem:$0x1FF00] =	vst v8;
	v8 =	vld.idx.msk [tilespmem:v23+s2+$0x0], $0xffff  }
0x1e2: {  	v55 =	vadd.s32 v3, v17;
	v56 =	vadd.s32 v4, v17;
	v40 =	vld.idx.msk [tilespmem:v40+s2+$0x0], $0xffff;
	[tilespmem:s19+$0xFFFFFE80] =	vst v31  }
0x1e3: {  	v15 =	vshll.u32 v15, $0x6;
	v57 =	vadd.s32 v5, v17;
	v58 =	vadd.s32 v6, v17;
	v41 =	vld.idx.msk [tilespmem:v41+s2+$0x0], $0xffff;
	[tilespmem:s19+$0xFFFFFF00] =	vst v21  }
0x1e4: {  	v59 =	vadd.s32 v7, v17;
	v60 =	vadd.s32 v0, v15;
	v42 =	vld.idx.msk [tilespmem:v42+s2+$0x0], $0xffff;
	[tilespmem:s19+$0xFFFFFF80] =	vst v32  }
0x1e5: {  	v61 =	vadd.s32 v1, v15;
	v62 =	vadd.s32 v2, v15;
	v20 =	vshll.u32 v20, $0x6;
	v43 =	vld.idx.msk [tilespmem:v43+s2+$0x0], $0xffff;
	[tilespmem:s19+$0x0] =	vst v33  }
0x1e6: {  	v63 =	vadd.s32 v3, v15;
	v13 =	vadd.s32 v1, v20;
	[tilespmem:$0x1FF10] =	vst v8;
	v8 =	vld.idx.msk [tilespmem:v14+s2+$0x0], $0xffff  }
0x1e7: {  	v19 =	vadd.s32 v4, v20;
	v17 =	vadd.s32 v5, v20;
	v46 =	vld.idx.msk [tilespmem:v46+s2+$0x0], $0xffff;
	[tilespmem:s19+$0x80] =	vst v34  }
0x1e8: {  	v9 =	vadd.s32 v5, v15;
	v30 =	vadd.s32 v7, v18;
	v21 =	vld.idx.msk [tilespmem:v22+s2+$0x0], $0xffff;
	[tilespmem:s19+$0x100] =	vst v35  }
0x1e9: {  	v10 =	vadd.s32 v6, v15;
	v16 =	vadd.s32 v7, v20;
	v22 =	vld.idx.msk [tilespmem:v37+s2+$0x0], $0xffff;
	[tilespmem:s19+$0x180] =	vst v36  }
0x1ea: {  	v11 =	vadd.s32 v7, v15;
	v12 =	vadd.s32 v0, v20;
	v23 =	vadd.s32 v4, v18;
	[tilespmem:s19+$0x1F0] =	vst v25  }
0x1eb: {  	v25 =	vadd.s32 v6, v18;
	v14 =	vadd.s32 v2, v20;
	v18 =	vadd.s32 v3, v20;
	[tilespmem:$0x1FEB0] =	vst v8  }
0x1ec: {  	v8 =	vadd.s32 v4, v15;
	v15 =	vadd.s32 v6, v20;
	v20 =	vld.idx.msk [tilespmem:v29+s2+$0x0], $0xffff;
	[tilespmem:s19+$0xFFFFFE10] =	vst v24  }
0x1ed: {  	v47 =	vld.idx.msk [tilespmem:v47+s2+$0x0], $0xffff;
	[tilespmem:s19+$0xFFFFFE90] =	vst v26  }
0x1ee: {  	v48 =	vld.idx.msk [tilespmem:v48+s2+$0x0], $0xffff;
	[tilespmem:s19+$0xFFFFFF10] =	vst v27  }
0x1ef: {  	v49 =	vld.idx.msk [tilespmem:v49+s2+$0x0], $0xffff;
	[tilespmem:s19+$0xFFFFFF90] =	vst v28  }
0x1f0: {  	v50 =	vld.idx.msk [tilespmem:v50+s2+$0x0], $0xffff;
	[tilespmem:s19+$0x90] =	vst v21  }
0x1f1: {  	v52 =	vld.idx.msk [tilespmem:v52+s2+$0x0], $0xffff;
	[tilespmem:s19+$0x110] =	vst v22  }
0x1f2: {  	v23 =	vld.idx.msk [tilespmem:v23+s2+$0x0], $0xffff;
	[tilespmem:s19+$0x190] =	vst v38  }
0x1f3: {  	v25 =	vld.idx.msk [tilespmem:v25+s2+$0x0], $0xffff;
	[tilespmem:s19+$0x10] =	vst v20  }
0x1f4: {  	v20 =	vld.idx.msk [tilespmem:v30+s2+$0x0], $0xffff;
	[tilespmem:s19+$0xFFFFFE20] =	vst v39  }
0x1f5: {  	v53 =	vld.idx.msk [tilespmem:v53+s2+$0x0], $0xffff;
	[tilespmem:s19+$0xFFFFFEA0] =	vst v40  }
0x1f6: {  	v21 =	vld.idx.msk [tilespmem:v44+s2+$0x0], $0xffff;
	[tilespmem:s19+$0xFFFFFF20] =	vst v41  }
0x1f7: {  	v22 =	vld.idx.msk [tilespmem:v45+s2+$0x0], $0xffff;
	[tilespmem:s19+$0xFFFFFFA0] =	vst v42  }
0x1f8: {  	v57 =	vld.idx.msk [tilespmem:v57+s2+$0x0], $0xffff;
	[tilespmem:s19+$0x20] =	vst v23  }
0x1f9: {  	v58 =	vld.idx.msk [tilespmem:v58+s2+$0x0], $0xffff;
	[tilespmem:s19+$0xA0] =	vst v43  }
0x1fa: {  	v59 =	vld.idx.msk [tilespmem:v59+s2+$0x0], $0xffff;
	[tilespmem:s19+$0x120] =	vst v25  }
0x1fb: {  	v23 =	vld.idx.msk [tilespmem:v51+s2+$0x0], $0xffff;
	[tilespmem:s19+$0xFFFFFE30] =	vst v21  }
0x1fc: {  	v60 =	vld.idx.msk [tilespmem:v60+s2+$0x0], $0xffff;
	[tilespmem:s19+$0xFFFFFEB0] =	vst v22  }
0x1fd: {  	v61 =	vld.idx.msk [tilespmem:v61+s2+$0x0], $0xffff;
	[tilespmem:s19+$0xFFFFFF30] =	vst v46  }
0x1fe: {  	v63 =	vld.idx.msk [tilespmem:v63+s2+$0x0], $0xffff;
	[tilespmem:s19+$0xFFFFFFB0] =	vst v47  }
0x1ff: {  	v13 =	vld.idx.msk [tilespmem:v13+s2+$0x0], $0xffff;
	[tilespmem:s19+$0x30] =	vst v48  }
0x200: {  	v19 =	vld.idx.msk [tilespmem:v19+s2+$0x0], $0xffff;
	[tilespmem:s19+$0xB0] =	vst v49  }
0x201: {  	v21 =	vld.idx.msk [tilespmem:v55+s2+$0x0], $0xffff;
	[tilespmem:s19+$0x130] =	vst v50  }
0x202: {  	v22 =	vld.idx.msk [tilespmem:v56+s2+$0x0], $0xffff;
	[tilespmem:s19+$0x1A0] =	vst v20  }
0x203: {  	v17 =	vld.idx.msk [tilespmem:v17+s2+$0x0], $0xffff;
	[tilespmem:s19+$0x1B0] =	vst v23  }
0x204: {  	v20 =	vld.idx.msk [tilespmem:v54+s2+$0x0], $0xffff;
	[tilespmem:s19+$0xFFFFFE40] =	vst v52  }
0x205: {  	v9 =	vld.idx.msk [tilespmem:v9+s2+$0x0], $0xffff;
	[tilespmem:s19+$0xFFFFFEC0] =	vst v53  }
0x206: {  	v10 =	vld.idx.msk [tilespmem:v10+s2+$0x0], $0xffff;
	[tilespmem:s19+$0xFFFFFFC0] =	vst v21  }
0x207: {  	v16 =	vld.idx.msk [tilespmem:v16+s2+$0x0], $0xffff;
	[tilespmem:s19+$0x40] =	vst v22  }
0x208: {  	v11 =	vld.idx.msk [tilespmem:v11+s2+$0x0], $0xffff;
	[tilespmem:s19+$0xC0] =	vst v57  }
0x209: {  	v8 =	vld.idx.msk [tilespmem:v8+s2+$0x0], $0xffff;
	[tilespmem:s19+$0x140] =	vst v58  }
0x20a: {  	v12 =	vld.idx.msk [tilespmem:v12+s2+$0x0], $0xffff;
	[tilespmem:s19+$0x1C0] =	vst v59  }
0x20b: {  	v23 =	vld.idx.msk [tilespmem:v62+s2+$0x0], $0xffff;
	[tilespmem:s19+$0xFFFFFE50] =	vst v60  }
0x20c: {  	v18 =	vld.idx.msk [tilespmem:v18+s2+$0x0], $0xffff;
	[tilespmem:s19+$0xFFFFFED0] =	vst v61  }
0x20d: {  	v15 =	vld.idx.msk [tilespmem:v15+s2+$0x0], $0xffff;
	[tilespmem:s19+$0xFFFFFFD0] =	vst v63  }
0x20e: {  	[tilespmem:s19+$0x50] =	vst v8;
	v8 =	vld [tilespmem:$0x1FEC0]  }
0x20f: {  	s20 =	sadd.s32 $0x8, s20;
	[tilespmem:s19+$0xD0] =	vst v9;
	v9 =	vld [tilespmem:$0x1FED0]  }
0x210: {  	p0 =	slt.u32 s20, $0xF8;
	[tilespmem:s19+$0x150] =	vst v10;
	v10 =	vld [tilespmem:$0x1FEE0]  }
.Ltmp2:
0x211: {  	[tilespmem:s19+$0x1D0] =	vst v11;
	v11 =	vld [tilespmem:$0x1FEF0];
	(pc) =	sbr.rel @p0 .LBB2_6-.Ltmp2, $4  }
0x212: {  	[tilespmem:s19+$0xFFFFFF40] =	vst v20;
	v20 =	vld.idx.msk [tilespmem:v14+s2+$0x0], $0xffff  }
0x213: {  	v14 =	vld [tilespmem:$0x1FEB0];
	[tilespmem:s19+$0xFFFFFF50] =	vst v23  }
0x214: {  	[tilespmem:s19+$0xFFFFFE60] =	vst v12;
	v12 =	vld [tilespmem:$0x1FF00]  }
0x215: {  	s21 =	sadd.s32 $0x80, s21;
	[tilespmem:s19+$0xFFFFFEE0] =	vst v13;
	v13 =	vld [tilespmem:$0x1FF10]  }
0x216: {  	[tilespmem:s19+$0xFFFFFFE0] =	vst v18  }
0x217: {  	[tilespmem:s19+$0x60] =	vst v19  }
0x218: {  	[tilespmem:s19+$0xE0] =	vst v17  }
0x219: {  	[tilespmem:s19+$0x160] =	vst v15  }
0x21a: {  	[tilespmem:s19+$0x1E0] =	vst v16  }
0x21b: {  	[tilespmem:s19+$0xFFFFFE70] =	vst v8  }
0x21c: {  	[tilespmem:s19+$0xFFFFFEF0] =	vst v9  }
0x21d: {  	[tilespmem:s19+$0xFFFFFF70] =	vst v10  }
0x21e: {  	[tilespmem:s19+$0xFFFFFFF0] =	vst v11  }
0x21f: {  	[tilespmem:s19+$0xFFFFFF60] =	vst v20  }
0x220: {  	[tilespmem:s19+$0x170] =	vst v14  }
0x221: {  	[tilespmem:s19+$0x70] =	vst v12  }
0x222: {  	[tilespmem:s19+$0xF0] =	vst v13  }
0x223: {  	[hbm4b:s7+s2] =	stream.linear.scatter [tilespmem:s14], [sflag:$0x1], $0x8000, $0x38;
	[tilespmem:$0x18000] =	vst v63  }
0x224: {  	_ =	swait.ge [sflag:s17], $0x8000  }
0x225: {  	[sflag:s17] =	ssyncset.done $0x0  }
0x226: {  	s31 =	simm.s32 $0x7070;
	[sflag:s17] =	ssyncadd.s32 $0xFFFF8000  }
0x227: {  	v8 =	vld [tilespmem:s31+$0x0];
	_ =	sdelay $0x3  }
0x228: {  	v16 =	vld [tilespmem:s31+$0xFFFFFFA0]  }
0x229: {  	v17 =	vld [tilespmem:s31+$0xFFFFFFB0];
	v10 =	vshll.u32 v8, $0x6  }
0x22a: {  	v18 =	vld [tilespmem:s31+$0xFFFFFFC0];
	v8 =	vadd.s32 v0, v10  }
0x22b: {  	v19 =	vld [tilespmem:s31+$0xFFFFFFD0];
	v9 =	vadd.s32 v7, v10  }
0x22c: {  	v11 =	vld [tilespmem:s31+$0xFFFFFF90];
	v12 =	vadd.s32 v1, v10  }
0x22d: {  	v20 =	vld [tilespmem:s31+$0xFFFFFFE0];
	v13 =	vadd.s32 v2, v10  }
0x22e: {  	v15 =	vld [tilespmem:s31+$0xFFFFFFF0];
	v14 =	vadd.s32 v3, v10  }
0x22f: {  	v21 =	vadd.s32 v4, v10;
	v8 =	vld.idx.msk [tilespmem:v8+s2+$0x0], $0xffff  }
0x230: {  	v22 =	vadd.s32 v5, v10;
	v23 =	vld.idx.msk [tilespmem:v9+s2+$0x0], $0xffff  }
0x231: {  	v24 =	vshll.u32 v11, $0x6;
	v25 =	vadd.s32 v6, v10;
	v9 =	vld.idx.msk [tilespmem:v12+s2+$0x0], $0xffff  }
0x232: {  	v26 =	vadd.s32 v0, v24;
	v10 =	vld.idx.msk [tilespmem:v13+s2+$0x0], $0xffff  }
0x233: {  	v27 =	vadd.s32 v1, v24;
	v11 =	vld.idx.msk [tilespmem:v14+s2+$0x0], $0xffff  }
0x234: {  	v28 =	vadd.s32 v2, v24;
	v12 =	vld.idx.msk [tilespmem:v21+s2+$0x0], $0xffff  }
0x235: {  	v63 =	vadd.s32 v5, v24;
	v13 =	vld.idx.msk [tilespmem:v22+s2+$0x0], $0xffff  }
0x236: {  	v29 =	vadd.s32 v6, v24;
	v14 =	vld.idx.msk [tilespmem:v25+s2+$0x0], $0xffff  }
0x237: {  	v21 =	vadd.s32 v3, v24;
	v26 =	vld.idx.msk [tilespmem:v26+s2+$0x0], $0xffff  }
0x238: {  	v22 =	vadd.s32 v4, v24;
	v27 =	vld.idx.msk [tilespmem:v27+s2+$0x0], $0xffff  }
0x239: {  	v16 =	vshll.u32 v16, $0x6;
	v24 =	vadd.s32 v7, v24;
	v28 =	vld.idx.msk [tilespmem:v28+s2+$0x0], $0xffff  }
0x23a: {  	v30 =	vadd.s32 v0, v16;
	v25 =	vld.idx.msk [tilespmem:v63+s2+$0x0], $0xffff  }
0x23b: {  	v31 =	vadd.s32 v1, v16;
	v29 =	vld.idx.msk [tilespmem:v29+s2+$0x0], $0xffff  }
0x23c: {  	s19 =	simm.s32 $0x10200;
	v32 =	vadd.s32 v2, v16;
	v21 =	vld.idx.msk [tilespmem:v21+s2+$0x0], $0xffff  }
0x23d: {  	v33 =	vadd.s32 v3, v16;
	v22 =	vld.idx.msk [tilespmem:v22+s2+$0x0], $0xffff;
	[tilespmem:s19+$0x1F0] =	vst v23  }
0x23e: {  	v36 =	vadd.s32 v5, v16;
	v24 =	vld.idx.msk [tilespmem:v24+s2+$0x0], $0xffff;
	[tilespmem:s19+$0xFFFFFE00] =	vst v26  }
0x23f: {  	v37 =	vadd.s32 v6, v16;
	v30 =	vld.idx.msk [tilespmem:v30+s2+$0x0], $0xffff;
	[tilespmem:s19+$0xFFFFFE80] =	vst v27  }
0x240: {  	v31 =	vld.idx.msk [tilespmem:v31+s2+$0x0], $0xffff;
	v23 =	vadd.s32 v4, v16;
	[tilespmem:s19+$0xFFFFFF00] =	vst v28  }
0x241: {  	v17 =	vshll.u32 v17, $0x6;
	v38 =	vld.idx.msk [tilespmem:v32+s2+$0x0], $0xffff;
	v16 =	vadd.s32 v7, v16;
	[tilespmem:s19+$0x80] =	vst v25  }
0x242: {  	v40 =	vadd.s32 v2, v17;
	v39 =	vld.idx.msk [tilespmem:v33+s2+$0x0], $0xffff;
	[tilespmem:s19+$0x100] =	vst v29  }
0x243: {  	v41 =	vadd.s32 v3, v17;
	v26 =	vld.idx.msk [tilespmem:v36+s2+$0x0], $0xffff;
	[tilespmem:s19+$0xFFFFFF80] =	vst v21  }
0x244: {  	v42 =	vadd.s32 v4, v17;
	v27 =	vld.idx.msk [tilespmem:v37+s2+$0x0], $0xffff;
	[tilespmem:s19+$0x0] =	vst v22  }
0x245: {  	v21 =	vadd.s32 v0, v17;
	v23 =	vld.idx.msk [tilespmem:v23+s2+$0x0], $0xffff;
	[tilespmem:s19+$0x180] =	vst v24  }
0x246: {  	v22 =	vadd.s32 v1, v17;
	v16 =	vld.idx.msk [tilespmem:v16+s2+$0x0], $0xffff;
	[tilespmem:s19+$0xFFFFFE10] =	vst v30  }
0x247: {  	v43 =	vadd.s32 v5, v17;
	v25 =	vld.idx.msk [tilespmem:v40+s2+$0x0], $0xffff;
	[tilespmem:s19+$0xFFFFFE90] =	vst v31  }
0x248: {  	v44 =	vadd.s32 v6, v17;
	v29 =	vld.idx.msk [tilespmem:v41+s2+$0x0], $0xffff;
	[tilespmem:s19+$0xFFFFFF10] =	vst v38  }
0x249: {  	v18 =	vshll.u32 v18, $0x6;
	v17 =	vadd.s32 v7, v17;
	[tilespmem:s19+$0xFFFFFF90] =	vst v39;
	v24 =	vld.idx.msk [tilespmem:v42+s2+$0x0], $0xffff  }
0x24a: {  	v46 =	vadd.s32 v2, v18;
	[tilespmem:s19+$0x90] =	vst v26;
	v21 =	vld.idx.msk [tilespmem:v21+s2+$0x0], $0xffff  }
0x24b: {  	v45 =	vadd.s32 v0, v18;
	[tilespmem:s19+$0x110] =	vst v27;
	v22 =	vld.idx.msk [tilespmem:v22+s2+$0x0], $0xffff  }
0x24c: {  	v47 =	vadd.s32 v3, v18;
	v30 =	vld.idx.msk [tilespmem:v43+s2+$0x0], $0xffff;
	[tilespmem:s19+$0x10] =	vst v23  }
0x24d: {  	v31 =	vld.idx.msk [tilespmem:v44+s2+$0x0], $0xffff;
	v23 =	vadd.s32 v1, v18;
	[tilespmem:s19+$0x190] =	vst v16  }
0x24e: {  	v16 =	vadd.s32 v4, v18;
	v17 =	vld.idx.msk [tilespmem:v17+s2+$0x0], $0xffff;
	[tilespmem:s19+$0xFFFFFF20] =	vst v25  }
0x24f: {  	v48 =	vld.idx.msk [tilespmem:v46+s2+$0x0], $0xffff;
	[tilespmem:s19+$0xFFFFFE20] =	vst v21;
	v21 =	vadd.s32 v5, v18  }
0x250: {  	v28 =	vld.idx.msk [tilespmem:v45+s2+$0x0], $0xffff;
	[tilespmem:s19+$0xFFFFFEA0] =	vst v22;
	v22 =	vadd.s32 v6, v18  }
0x251: {  	v19 =	vshll.u32 v19, $0x6;
	v27 =	vld.idx.msk [tilespmem:v47+s2+$0x0], $0xffff;
	[tilespmem:s19+$0xFFFFFFA0] =	vst v29;
	v18 =	vadd.s32 v7, v18  }
0x252: {  	v51 =	vadd.s32 v2, v19;
	[tilespmem:s19+$0x20] =	vst v24;
	v23 =	vld.idx.msk [tilespmem:v23+s2+$0x0], $0xffff  }
0x253: {  	v52 =	vadd.s32 v3, v19;
	[tilespmem:s19+$0xA0] =	vst v30;
	v16 =	vld.idx.msk [tilespmem:v16+s2+$0x0], $0xffff  }
0x254: {  	v49 =	vadd.s32 v0, v19;
	[tilespmem:s19+$0x120] =	vst v31;
	v21 =	vld.idx.msk [tilespmem:v21+s2+$0x0], $0xffff  }
0x255: {  	v50 =	vadd.s32 v1, v19;
	[tilespmem:s19+$0x1A0] =	vst v17;
	v22 =	vld.idx.msk [tilespmem:v22+s2+$0x0], $0xffff  }
0x256: {  	v17 =	vadd.s32 v4, v19;
	v18 =	vld.idx.msk [tilespmem:v18+s2+$0x0], $0xffff;
	[tilespmem:s19+$0xFFFFFE30] =	vst v28  }
0x257: {  	v53 =	vadd.s32 v5, v19;
	v54 =	vld.idx.msk [tilespmem:v51+s2+$0x0], $0xffff;
	[tilespmem:s19+$0xFFFFFEB0] =	vst v23  }
0x258: {  	v56 =	vld.idx.msk [tilespmem:v52+s2+$0x0], $0xffff;
	v23 =	vadd.s32 v6, v19;
	[tilespmem:s19+$0xFFFFFF30] =	vst v48  }
0x259: {  	v20 =	vshll.u32 v20, $0x6;
	v26 =	vld.idx.msk [tilespmem:v49+s2+$0x0], $0xffff;
	v19 =	vadd.s32 v7, v19;
	[tilespmem:s19+$0xFFFFFFB0] =	vst v27  }
0x25a: {  	v55 =	vadd.s32 v0, v20;
	v24 =	vld.idx.msk [tilespmem:v50+s2+$0x0], $0xffff;
	[tilespmem:s19+$0x30] =	vst v16  }
0x25b: {  	v16 =	vadd.s32 v1, v20;
	v17 =	vld.idx.msk [tilespmem:v17+s2+$0x0], $0xffff;
	[tilespmem:s19+$0xB0] =	vst v21  }
0x25c: {  	v57 =	vadd.s32 v5, v20;
	v28 =	vld.idx.msk [tilespmem:v53+s2+$0x0], $0xffff;
	[tilespmem:s19+$0x130] =	vst v22  }
0x25d: {  	v58 =	vadd.s32 v6, v20;
	v23 =	vld.idx.msk [tilespmem:v23+s2+$0x0], $0xffff;
	[tilespmem:s19+$0x1B0] =	vst v18  }
0x25e: {  	v21 =	vadd.s32 v2, v20;
	v19 =	vld.idx.msk [tilespmem:v19+s2+$0x0], $0xffff;
	[tilespmem:s19+$0xFFFFFE40] =	vst v26  }
0x25f: {  	v27 =	vld.idx.msk [tilespmem:v55+s2+$0x0], $0xffff;
	v22 =	vadd.s32 v3, v20;
	[tilespmem:s19+$0xFFFFFEC0] =	vst v24  }
0x260: {  	v18 =	vadd.s32 v4, v20;
	v16 =	vld.idx.msk [tilespmem:v16+s2+$0x0], $0xffff;
	[tilespmem:s19+$0xFFFFFF40] =	vst v54  }
0x261: {  	v15 =	vshll.u32 v15, $0x6;
	v20 =	vadd.s32 v7, v20;
	[tilespmem:s19+$0xFFFFFFC0] =	vst v56;
	v26 =	vld.idx.msk [tilespmem:v57+s2+$0x0], $0xffff  }
0x262: {  	v59 =	vadd.s32 v0, v15;
	[tilespmem:s19+$0x40] =	vst v17;
	v24 =	vld.idx.msk [tilespmem:v58+s2+$0x0], $0xffff  }
0x263: {  	v17 =	vadd.s32 v1, v15;
	[tilespmem:s19+$0xC0] =	vst v28;
	v21 =	vld.idx.msk [tilespmem:v21+s2+$0x0], $0xffff  }
0x264: {  	v62 =	vadd.s32 v5, v15;
	v22 =	vld.idx.msk [tilespmem:v22+s2+$0x0], $0xffff;
	[tilespmem:s19+$0x140] =	vst v23  }
0x265: {  	v60 =	vld.idx.msk [tilespmem:v18+s2+$0x0], $0xffff;
	v18 =	vadd.s32 v2, v15;
	[tilespmem:s19+$0x1C0] =	vst v19  }
0x266: {  	v23 =	vadd.s32 v3, v15;
	v61 =	vld.idx.msk [tilespmem:v20+s2+$0x0], $0xffff;
	[tilespmem:s19+$0xFFFFFE50] =	vst v27  }
0x267: {  	v25 =	vld.idx.msk [tilespmem:v59+s2+$0x0], $0xffff;
	v19 =	vadd.s32 v4, v15;
	[tilespmem:s19+$0xFFFFFED0] =	vst v16  }
0x268: {  	v16 =	vadd.s32 v6, v15;
	v63 =	vld.idx.msk [tilespmem:v17+s2+$0x0], $0xffff;
	[tilespmem:s19+$0xD0] =	vst v26  }
0x269: {  	v17 =	vld.idx.msk [tilespmem:v62+s2+$0x0], $0xffff;
	[tilespmem:s19+$0xFFFFFF50] =	vst v21;
	v21 =	vadd.s32 v7, v15  }
0x26a: {  	[tilespmem:s19+$0x150] =	vst v24;
	v20 =	vld.idx.msk [tilespmem:v18+s2+$0x0], $0xffff  }
0x26b: {  	[tilespmem:s19+$0xFFFFFFD0] =	vst v22;
	v18 =	vld.idx.msk [tilespmem:v23+s2+$0x0], $0xffff  }
0x26c: {  	[tilespmem:s19+$0x50] =	vst v60;
	v19 =	vld.idx.msk [tilespmem:v19+s2+$0x0], $0xffff  }
0x26d: {  	v15 =	vld.idx.msk [tilespmem:v16+s2+$0x0], $0xffff;
	[tilespmem:s19+$0x1D0] =	vst v61  }
0x26e: {  	v16 =	vld.idx.msk [tilespmem:v21+s2+$0x0], $0xffff;
	[tilespmem:s19+$0xFFFFFE60] =	vst v25  }
0x26f: {  	s20 =	simm.s32 $0x0;
	s21 =	simm.s32 $0x70F0;
	[tilespmem:s19+$0xFFFFFEE0] =	vst v63  }
.LBB2_8:
0x270: {  	v21 =	vld [tilespmem:s21+$0x0];
	_ =	sdelay $0x3  }
0x271: {  	[tilespmem:s19+$0xFFFFFF60] =	vst v20  }
0x272: {  	[tilespmem:s19+$0xFFFFFFE0] =	vst v18;
	v21 =	vshll.u32 v21, $0x6  }
0x273: {  	[tilespmem:s19+$0xFFFFFE70] =	vst v8;
	v22 =	vadd.s32 v0, v21  }
0x274: {  	[tilespmem:s19+$0xFFFFFEF0] =	vst v9  }
0x275: {  	v20 =	vld [tilespmem:s21+$0xFFFFFFA0];
	[tilespmem:s19+$0xFFFFFF70] =	vst v10  }
0x276: {  	[tilespmem:s19+$0xFFFFFFF0] =	vst v11  }
0x277: {  	v23 =	vld [tilespmem:s21+$0xFFFFFF90];
	[tilespmem:s19+$0x70] =	vst v12;
	v25 =	vadd.s32 v7, v21  }
0x278: {  	[tilespmem:s19+$0x60] =	vst v19;
	v9 =	vadd.s32 v1, v21;
	v8 =	vld.idx.msk [tilespmem:v22+s2+$0x0], $0xffff  }
0x279: {  	v18 =	vld [tilespmem:s21+$0xFFFFFFB0];
	[tilespmem:s19+$0xE0] =	vst v17  }
0x27a: {  	v19 =	vld [tilespmem:s21+$0xFFFFFFC0];
	[tilespmem:s19+$0x1E0] =	vst v16;
	v16 =	vshll.u32 v20, $0x6  }
0x27b: {  	v17 =	vld [tilespmem:s21+$0xFFFFFFD0];
	v24 =	vadd.s32 v0, v16;
	[tilespmem:s19+$0xF0] =	vst v13  }
0x27c: {  	v26 =	vadd.s32 v1, v16;
	v25 =	vld.idx.msk [tilespmem:v25+s2+$0x0], $0xffff;
	[tilespmem:s19+$0x170] =	vst v14  }
0x27d: {  	v10 =	vadd.s32 v2, v21;
	[tilespmem:$0x1FE50] =	vst v8;
	v8 =	vld.idx.msk [tilespmem:v9+s2+$0x0], $0xffff  }
0x27e: {  	[tilespmem:s19+$0x160] =	vst v15;
	v15 =	vld [tilespmem:s21+$0xFFFFFFE0];
	v27 =	vadd.s32 v2, v16  }
0x27f: {  	v20 =	vld [tilespmem:s21+$0xFFFFFFF0];
	v28 =	vadd.s32 v3, v16  }
0x280: {  	v18 =	vshll.u32 v18, $0x6;
	v38 =	vadd.s32 v7, v16;
	v24 =	vld.idx.msk [tilespmem:v24+s2+$0x0], $0xffff  }
0x281: {  	v39 =	vadd.s32 v0, v18;
	v26 =	vld.idx.msk [tilespmem:v26+s2+$0x0], $0xffff  }
0x282: {  	v11 =	vadd.s32 v3, v21;
	v13 =	vshll.u32 v23, $0x6;
	[tilespmem:$0x1FE60] =	vst v8;
	v8 =	vld.idx.msk [tilespmem:v10+s2+$0x0], $0xffff  }
0x283: {  	v30 =	vadd.s32 v0, v13;
	v27 =	vld.idx.msk [tilespmem:v27+s2+$0x0], $0xffff  }
0x284: {  	v12 =	vadd.s32 v4, v21;
	v31 =	vadd.s32 v1, v13;
	v28 =	vld.idx.msk [tilespmem:v28+s2+$0x0], $0xffff  }
0x285: {  	v23 =	vadd.s32 v5, v21;
	v14 =	vadd.s32 v6, v21;
	v21 =	vadd.s32 v2, v13;
	v38 =	vld.idx.msk [tilespmem:v38+s2+$0x0], $0xffff  }
0x286: {  	v32 =	vadd.s32 v3, v13;
	v39 =	vld.idx.msk [tilespmem:v39+s2+$0x0], $0xffff  }
0x287: {  	v29 =	vadd.s32 v4, v16;
	[tilespmem:$0x1FE70] =	vst v8;
	v8 =	vld.idx.msk [tilespmem:v11+s2+$0x0], $0xffff  }
0x288: {  	v37 =	vadd.s32 v6, v16;
	v22 =	vadd.s32 v5, v16;
	v33 =	vadd.s32 v4, v13;
	v16 =	vld.idx.msk [tilespmem:v30+s2+$0x0], $0xffff  }
0x289: {  	v34 =	vadd.s32 v5, v13;
	v31 =	vld.idx.msk [tilespmem:v31+s2+$0x0], $0xffff  }
0x28a: {  	v35 =	vadd.s32 v6, v13;
	v21 =	vld.idx.msk [tilespmem:v21+s2+$0x0], $0xffff  }
0x28b: {  	v19 =	vshll.u32 v19, $0x6;
	v36 =	vadd.s32 v7, v13;
	v32 =	vld.idx.msk [tilespmem:v32+s2+$0x0], $0xffff  }
0x28c: {  	v17 =	vshll.u32 v17, $0x6;
	v40 =	vadd.s32 v1, v18;
	v41 =	vadd.s32 v2, v18;
	[tilespmem:$0x1FE80] =	vst v8;
	v8 =	vld.idx.msk [tilespmem:v12+s2+$0x0], $0xffff  }
0x28d: {  	v42 =	vadd.s32 v3, v18;
	v43 =	vadd.s32 v5, v18;
	v44 =	vadd.s32 v0, v19;
	v33 =	vld.idx.msk [tilespmem:v33+s2+$0x0], $0xffff  }
0x28e: {  	v45 =	vadd.s32 v1, v19;
	v46 =	vadd.s32 v2, v19;
	v47 =	vadd.s32 v3, v19;
	v34 =	vld.idx.msk [tilespmem:v34+s2+$0x0], $0xffff  }
0x28f: {  	v48 =	vadd.s32 v4, v19;
	v49 =	vadd.s32 v5, v19;
	v50 =	vadd.s32 v6, v19;
	s19 =	sadd.s32 $0x400, s19;
	v35 =	vld.idx.msk [tilespmem:v35+s2+$0x0], $0xffff  }
0x290: {  	v51 =	vadd.s32 v7, v19;
	v52 =	vadd.s32 v0, v17;
	v36 =	vld.idx.msk [tilespmem:v36+s2+$0x0], $0xffff;
	[tilespmem:s19+$0xFFFFFE00] =	vst v16  }
0x291: {  	v53 =	vadd.s32 v1, v17;
	v54 =	vadd.s32 v2, v17;
	[tilespmem:$0x1FE90] =	vst v8;
	v8 =	vld.idx.msk [tilespmem:v23+s2+$0x0], $0xffff  }
0x292: {  	v55 =	vadd.s32 v3, v17;
	v56 =	vadd.s32 v4, v17;
	v40 =	vld.idx.msk [tilespmem:v40+s2+$0x0], $0xffff;
	[tilespmem:s19+$0xFFFFFE80] =	vst v31  }
0x293: {  	v15 =	vshll.u32 v15, $0x6;
	v57 =	vadd.s32 v5, v17;
	v58 =	vadd.s32 v6, v17;
	v41 =	vld.idx.msk [tilespmem:v41+s2+$0x0], $0xffff;
	[tilespmem:s19+$0xFFFFFF00] =	vst v21  }
0x294: {  	v59 =	vadd.s32 v7, v17;
	v60 =	vadd.s32 v0, v15;
	v42 =	vld.idx.msk [tilespmem:v42+s2+$0x0], $0xffff;
	[tilespmem:s19+$0xFFFFFF80] =	vst v32  }
0x295: {  	v61 =	vadd.s32 v1, v15;
	v62 =	vadd.s32 v2, v15;
	v20 =	vshll.u32 v20, $0x6;
	v43 =	vld.idx.msk [tilespmem:v43+s2+$0x0], $0xffff;
	[tilespmem:s19+$0x0] =	vst v33  }
0x296: {  	v63 =	vadd.s32 v3, v15;
	v13 =	vadd.s32 v1, v20;
	[tilespmem:$0x1FEA0] =	vst v8;
	v8 =	vld.idx.msk [tilespmem:v14+s2+$0x0], $0xffff  }
0x297: {  	v19 =	vadd.s32 v4, v20;
	v17 =	vadd.s32 v5, v20;
	v46 =	vld.idx.msk [tilespmem:v46+s2+$0x0], $0xffff;
	[tilespmem:s19+$0x80] =	vst v34  }
0x298: {  	v9 =	vadd.s32 v5, v15;
	v30 =	vadd.s32 v7, v18;
	v21 =	vld.idx.msk [tilespmem:v22+s2+$0x0], $0xffff;
	[tilespmem:s19+$0x100] =	vst v35  }
0x299: {  	v10 =	vadd.s32 v6, v15;
	v16 =	vadd.s32 v7, v20;
	v22 =	vld.idx.msk [tilespmem:v37+s2+$0x0], $0xffff;
	[tilespmem:s19+$0x180] =	vst v36  }
0x29a: {  	v11 =	vadd.s32 v7, v15;
	v12 =	vadd.s32 v0, v20;
	v23 =	vadd.s32 v4, v18;
	[tilespmem:s19+$0x1F0] =	vst v25  }
0x29b: {  	v25 =	vadd.s32 v6, v18;
	v14 =	vadd.s32 v2, v20;
	v18 =	vadd.s32 v3, v20;
	[tilespmem:$0x1FE40] =	vst v8  }
0x29c: {  	v8 =	vadd.s32 v4, v15;
	v15 =	vadd.s32 v6, v20;
	v20 =	vld.idx.msk [tilespmem:v29+s2+$0x0], $0xffff;
	[tilespmem:s19+$0xFFFFFE10] =	vst v24  }
0x29d: {  	v47 =	vld.idx.msk [tilespmem:v47+s2+$0x0], $0xffff;
	[tilespmem:s19+$0xFFFFFE90] =	vst v26  }
0x29e: {  	v48 =	vld.idx.msk [tilespmem:v48+s2+$0x0], $0xffff;
	[tilespmem:s19+$0xFFFFFF10] =	vst v27  }
0x29f: {  	v49 =	vld.idx.msk [tilespmem:v49+s2+$0x0], $0xffff;
	[tilespmem:s19+$0xFFFFFF90] =	vst v28  }
0x2a0: {  	v50 =	vld.idx.msk [tilespmem:v50+s2+$0x0], $0xffff;
	[tilespmem:s19+$0x90] =	vst v21  }
0x2a1: {  	v52 =	vld.idx.msk [tilespmem:v52+s2+$0x0], $0xffff;
	[tilespmem:s19+$0x110] =	vst v22  }
0x2a2: {  	v23 =	vld.idx.msk [tilespmem:v23+s2+$0x0], $0xffff;
	[tilespmem:s19+$0x190] =	vst v38  }
0x2a3: {  	v25 =	vld.idx.msk [tilespmem:v25+s2+$0x0], $0xffff;
	[tilespmem:s19+$0x10] =	vst v20  }
0x2a4: {  	v20 =	vld.idx.msk [tilespmem:v30+s2+$0x0], $0xffff;
	[tilespmem:s19+$0xFFFFFE20] =	vst v39  }
0x2a5: {  	v53 =	vld.idx.msk [tilespmem:v53+s2+$0x0], $0xffff;
	[tilespmem:s19+$0xFFFFFEA0] =	vst v40  }
0x2a6: {  	v21 =	vld.idx.msk [tilespmem:v44+s2+$0x0], $0xffff;
	[tilespmem:s19+$0xFFFFFF20] =	vst v41  }
0x2a7: {  	v22 =	vld.idx.msk [tilespmem:v45+s2+$0x0], $0xffff;
	[tilespmem:s19+$0xFFFFFFA0] =	vst v42  }
0x2a8: {  	v57 =	vld.idx.msk [tilespmem:v57+s2+$0x0], $0xffff;
	[tilespmem:s19+$0x20] =	vst v23  }
0x2a9: {  	v58 =	vld.idx.msk [tilespmem:v58+s2+$0x0], $0xffff;
	[tilespmem:s19+$0xA0] =	vst v43  }
0x2aa: {  	v59 =	vld.idx.msk [tilespmem:v59+s2+$0x0], $0xffff;
	[tilespmem:s19+$0x120] =	vst v25  }
0x2ab: {  	v23 =	vld.idx.msk [tilespmem:v51+s2+$0x0], $0xffff;
	[tilespmem:s19+$0xFFFFFE30] =	vst v21  }
0x2ac: {  	v60 =	vld.idx.msk [tilespmem:v60+s2+$0x0], $0xffff;
	[tilespmem:s19+$0xFFFFFEB0] =	vst v22  }
0x2ad: {  	v61 =	vld.idx.msk [tilespmem:v61+s2+$0x0], $0xffff;
	[tilespmem:s19+$0xFFFFFF30] =	vst v46  }
0x2ae: {  	v63 =	vld.idx.msk [tilespmem:v63+s2+$0x0], $0xffff;
	[tilespmem:s19+$0xFFFFFFB0] =	vst v47  }
0x2af: {  	v13 =	vld.idx.msk [tilespmem:v13+s2+$0x0], $0xffff;
	[tilespmem:s19+$0x30] =	vst v48  }
0x2b0: {  	v19 =	vld.idx.msk [tilespmem:v19+s2+$0x0], $0xffff;
	[tilespmem:s19+$0xB0] =	vst v49  }
0x2b1: {  	v21 =	vld.idx.msk [tilespmem:v55+s2+$0x0], $0xffff;
	[tilespmem:s19+$0x130] =	vst v50  }
0x2b2: {  	v22 =	vld.idx.msk [tilespmem:v56+s2+$0x0], $0xffff;
	[tilespmem:s19+$0x1A0] =	vst v20  }
0x2b3: {  	v17 =	vld.idx.msk [tilespmem:v17+s2+$0x0], $0xffff;
	[tilespmem:s19+$0x1B0] =	vst v23  }
0x2b4: {  	v20 =	vld.idx.msk [tilespmem:v54+s2+$0x0], $0xffff;
	[tilespmem:s19+$0xFFFFFE40] =	vst v52  }
0x2b5: {  	v9 =	vld.idx.msk [tilespmem:v9+s2+$0x0], $0xffff;
	[tilespmem:s19+$0xFFFFFEC0] =	vst v53  }
0x2b6: {  	v10 =	vld.idx.msk [tilespmem:v10+s2+$0x0], $0xffff;
	[tilespmem:s19+$0xFFFFFFC0] =	vst v21  }
0x2b7: {  	v16 =	vld.idx.msk [tilespmem:v16+s2+$0x0], $0xffff;
	[tilespmem:s19+$0x40] =	vst v22  }
0x2b8: {  	v11 =	vld.idx.msk [tilespmem:v11+s2+$0x0], $0xffff;
	[tilespmem:s19+$0xC0] =	vst v57  }
0x2b9: {  	v8 =	vld.idx.msk [tilespmem:v8+s2+$0x0], $0xffff;
	[tilespmem:s19+$0x140] =	vst v58  }
0x2ba: {  	v12 =	vld.idx.msk [tilespmem:v12+s2+$0x0], $0xffff;
	[tilespmem:s19+$0x1C0] =	vst v59  }
0x2bb: {  	v23 =	vld.idx.msk [tilespmem:v62+s2+$0x0], $0xffff;
	[tilespmem:s19+$0xFFFFFE50] =	vst v60  }
0x2bc: {  	v18 =	vld.idx.msk [tilespmem:v18+s2+$0x0], $0xffff;
	[tilespmem:s19+$0xFFFFFED0] =	vst v61  }
0x2bd: {  	v15 =	vld.idx.msk [tilespmem:v15+s2+$0x0], $0xffff;
	[tilespmem:s19+$0xFFFFFFD0] =	vst v63  }
0x2be: {  	[tilespmem:s19+$0x50] =	vst v8;
	v8 =	vld [tilespmem:$0x1FE50]  }
0x2bf: {  	s20 =	sadd.s32 $0x8, s20;
	[tilespmem:s19+$0xD0] =	vst v9;
	v9 =	vld [tilespmem:$0x1FE60]  }
0x2c0: {  	p0 =	slt.u32 s20, $0xF8;
	[tilespmem:s19+$0x150] =	vst v10;
	v10 =	vld [tilespmem:$0x1FE70]  }
.Ltmp3:
0x2c1: {  	[tilespmem:s19+$0x1D0] =	vst v11;
	v11 =	vld [tilespmem:$0x1FE80];
	(pc) =	sbr.rel @p0 .LBB2_8-.Ltmp3, $4  }
0x2c2: {  	[tilespmem:s19+$0xFFFFFF40] =	vst v20;
	v20 =	vld.idx.msk [tilespmem:v14+s2+$0x0], $0xffff  }
0x2c3: {  	v14 =	vld [tilespmem:$0x1FE40];
	[tilespmem:s19+$0xFFFFFF50] =	vst v23  }
0x2c4: {  	[tilespmem:s19+$0xFFFFFE60] =	vst v12;
	v12 =	vld [tilespmem:$0x1FE90]  }
0x2c5: {  	s21 =	sadd.s32 $0x80, s21;
	[tilespmem:s19+$0xFFFFFEE0] =	vst v13;
	v13 =	vld [tilespmem:$0x1FEA0]  }
0x2c6: {  	[tilespmem:s19+$0xFFFFFFE0] =	vst v18  }
0x2c7: {  	[tilespmem:s19+$0x60] =	vst v19  }
0x2c8: {  	[tilespmem:s19+$0xE0] =	vst v17  }
0x2c9: {  	[tilespmem:s19+$0x160] =	vst v15  }
0x2ca: {  	[tilespmem:s19+$0x1E0] =	vst v16  }
0x2cb: {  	[tilespmem:s19+$0xFFFFFE70] =	vst v8  }
0x2cc: {  	[tilespmem:s19+$0xFFFFFEF0] =	vst v9  }
0x2cd: {  	[tilespmem:s19+$0xFFFFFF70] =	vst v10  }
0x2ce: {  	[tilespmem:s19+$0xFFFFFFF0] =	vst v11  }
0x2cf: {  	[tilespmem:s19+$0xFFFFFF60] =	vst v20  }
0x2d0: {  	[tilespmem:s19+$0x170] =	vst v14  }
0x2d1: {  	[tilespmem:s19+$0x70] =	vst v12  }
0x2d2: {  	s18 =	sadd.s32 $0x1, s18;
	[tilespmem:s19+$0xF0] =	vst v13  }
0x2d3: {  	[hbm4b:s8+s2] =	stream.linear.scatter [tilespmem:s15], [sflag:$0x2], $0x8000, $0x38;
	[tilespmem:$0x18000] =	vst v63  }
0x2d4: {  	p0 =	sne.s32 s18, s9;
	_ =	swait.ge [sflag:s16], $0x8000  }
.Ltmp4:
0x2d5: {  	[sflag:s16] =	ssyncset.done $0x0;
	(pc) =	sbr.rel @p0 .LBB2_1-.Ltmp4, $4  }
0x2d6: {  	[sflag:s16] =	ssyncadd.s32 $0xFFFF8000  }
0x2d7: {  	_ =	swait.ge [sflag:s17], $0x8000  }
0x2d8: {  	[sflag:s17] =	ssyncset.done $0x0  }
0x2d9: {  	[sflag:s17] =	ssyncadd.s32 $0xFFFF8000  }
0x2da: {  	_ =	sfence.sel $0x180000  }
0x2db: {  	[bflag:$0x0] =	sbarrier.arrive $0xFFFF  }
0x2dc: {  	p0 =	sne.s32 s1, $0x0;
	_ =	strace $0x90000047  }
0x2dd: {  	s0 =	sadd.s32 @!p0 $0x100000, s0;
	[bflag:$0x2] =	sbarrier.arrive $0xFFFF  }
0x2de: {  	[sflag:s0] =	ssyncadd.tile.s32 @!p0 $0x1;
	_ =	shalt  }
.Lfunc_end2:
_tile_overlayer_lowered:
.L_overlay_start_2:
0x2df: {  	(tag) =	ssettag $0x2  }
0x2e0: {  	s0 =	rddreg [dreg:$0x0];
	s2 =	stileid.u32  }
0x2e1: {  	s1 =	rddreg [dreg:$0x1];
	p0 =	sne.s32 s2, $0x0  }
0x2e2: {  	s3 =	rddreg [dreg:$0x2];
	[bflag:$0x3] =	sbarrier.arrive $0xFFFF;
	s2 =	simm.s32 @!p0 $0x1C03  }
0x2e3: {  	[timem:s3], [sflag:s2] =	dma.local @!p0 [hbm:s0], s1  }
0x2e4: {  	s0 =	simm.s32 @!p0 $0x3  }
0x2e5: {  	_ =	swait.ge @!p0 [sflag:s0], s1  }
0x2e6: {  	s1 =	ssub.s32 @!p0 $0x0, s1;
	[sflag:s0] =	ssyncset.done @!p0 $0x0  }
0x2e7: {  	[sflag:s0] =	ssyncadd.s32 @!p0 s1  }
0x2e8: {  	[bflag:$0x3] =	sbarrier.arrive $0xFFFF  }
0x2e9: {  	_ =	shalt  }

</sc_bundles>
